<compile_context>
chip_gen: v7x
topology: tpu7x:2x2x1
jax: 0.10.2.dev20260603
libtpu: 0.0.44.dev20260713+nightly
codegen_flags: <defaults>
</compile_context>

<pallas_src>
import functools

import jax
import jax.numpy as jnp
from jax import lax
from jax.experimental import pallas as pl
from jax.experimental.pallas import tpu as pltpu
from jax.experimental.pallas import tpu_sc as plsc

NUM_EMBEDDINGS = 100000
PACKED_WORDS = 16
EMB_DIM = 128
BATCH = 16384
FIELDS = 26
ROWS = BATCH * FIELDS
NC, NS, L = 2, 16, 16
NW = NC * NS
ROWS_PER_W = ROWS // NW
CHUNK = 128
NCHUNK = ROWS_PER_W // CHUNK


def _make_kernel():
  mesh = plsc.VectorSubcoreMesh(core_axis_name="c", subcore_axis_name="s")

  @functools.partial(
      pl.kernel,
      mesh=mesh,
      out_type=jax.ShapeDtypeStruct((ROWS, EMB_DIM), jnp.float32),
      compiler_params=pltpu.CompilerParams(use_tc_tiling_on_sc=False),
      scratch_types=[
          pltpu.VMEM((ROWS_PER_W,), jnp.int32),
          pltpu.VMEM((CHUNK, PACKED_WORDS), jnp.int32),
          pltpu.VMEM((CHUNK, PACKED_WORDS), jnp.int32),
          pltpu.VMEM((CHUNK, EMB_DIM), jnp.float32),
          pltpu.VMEM((CHUNK, EMB_DIM), jnp.float32),
          pltpu.VMEM((L,), jnp.float32),
          pltpu.SemaphoreType.DMA,
          pltpu.SemaphoreType.DMA,
          pltpu.SemaphoreType.DMA,
          pltpu.SemaphoreType.DMA,
      ],
  )
  def k(tab_hbm, idx_hbm, c_hbm, out_hbm, idx_all, g0, g1, o0, o1,
        c_v, sg0, sg1, so0, so1):
    wid = lax.axis_index("s") * NC + lax.axis_index("c")
    tbase = wid * ROWS_PER_W

    gb = (g0, g1)
    ob = (o0, o1)
    sg = (sg0, sg1)
    so = (so0, so1)

    pltpu.sync_copy(idx_hbm.at[pl.ds(tbase, ROWS_PER_W)], idx_all)
    pltpu.sync_copy(c_hbm, c_v)
    lut = (lax.iota(jnp.int32, L).astype(jnp.float32) - 7.0) / c_v[...]

    it = lax.iota(jnp.int32, L)
    wordsel = it >> 3
    shvec = ((it >> 1) & 3) * 8 + (1 - (it & 1)) * 4

    def vperm(src, idx):
      return lax.gather(
          src, idx[:, None],
          lax.GatherDimensionNumbers(
              offset_dims=(), collapsed_slice_dims=(0,),
              start_index_map=(0,)),
          slice_sizes=(1,),
          mode=lax.GatherScatterMode.PROMISE_IN_BOUNDS)

    def start_gather(g, b):
      pltpu.async_copy(
          tab_hbm.at[idx_all.at[pl.ds(g * CHUNK, CHUNK)]], gb[b], sg[b])

    def wait_gather(b):
      pltpu.make_async_copy(
          tab_hbm.at[pl.ds(0, CHUNK), :], gb[b], sg[b]).wait()

    def start_out(g, b):
      pltpu.async_copy(
          ob[b], out_hbm.at[pl.ds(tbase + g * CHUNK, CHUNK), :], so[b])

    def wait_out(b):
      pltpu.make_async_copy(
          ob[b], out_hbm.at[pl.ds(0, CHUNK), :], so[b]).wait()

    start_gather(0, 0)

    def chunk_pair(g2, _):
      for b in range(2):
        g = 2 * g2 + b
        nxt = g + 1

        @pl.when(nxt < NCHUNK)
        def _():
          start_gather(nxt, 1 - b)

        wait_gather(b)

        @pl.when(g >= 2)
        def _():
          wait_out(b)

        gbb = gb[b]
        obb = ob[b]

        def row_body(i, _):
          w = gbb[i, :]
          for s in range(8):
            ws = vperm(w, wordsel + 2 * s)
            nib = lax.shift_right_logical(ws, shvec) & 15
            obb[i, pl.ds(s * L, L)] = vperm(lut, nib)
          return 0

        lax.fori_loop(0, CHUNK, row_body, 0, unroll=4)
        start_out(g, b)
      return 0

    lax.fori_loop(0, NCHUNK // 2, chunk_pair, 0)
    wait_out(0)
    wait_out(1)

  return k


_sc_kernel = _make_kernel()


@jax.jit
def kernel(x, weight_quant_packed, c):
  idx = x.T.reshape(ROWS)
  c_vec = jnp.full((L,), c, dtype=jnp.float32)
  tab32 = lax.bitcast_convert_type(
      weight_quant_packed.reshape(NUM_EMBEDDINGS, PACKED_WORDS, 4), jnp.int32)
  out = _sc_kernel(tab32, idx, c_vec)
  return out.reshape(FIELDS, BATCH, EMB_DIM).transpose(1, 0, 2)

# --- scband reference (transcript-rebuilt; emitter-appended) ---
"""Pipeline reference for scband-cpu4bit-absmax-embedding-2181843387079 (READ-ONLY COPY).

The authoritative reference and input builder live on the scoring server;
editing this copy changes nothing except your own understanding.
"""

import jax, jax.numpy as jnp
import numpy as np

NUM_EMBEDDINGS = 100000
EMBEDDING_DIM = 128
BATCH = 16384
FIELDS = 26


def setup_inputs(seed: int = 0) -> dict:
    key = jax.random.key(seed)
    k1, k2 = jax.random.split(key)
    # Materialize the source embedding table, then quantize/pack exactly as the
    # torch module's __init__ does.
    X = jax.random.normal(k1, (NUM_EMBEDDINGS, EMBEDDING_DIM), dtype=jnp.float32)
    absmax = jnp.abs(X).max() + 1e-08
    c = (7.0 / absmax).astype(jnp.float32)
    X_uint4 = (jnp.round(c * X).clip(-7.0, 7.0) + 7.0).astype(jnp.uint8)
    weight_quant_packed = (X_uint4[:, 0::2] << 4) | X_uint4[:, 1::2]
    x = jax.random.randint(k2, (BATCH, FIELDS), 0, NUM_EMBEDDINGS, dtype=jnp.int32)
    return {"x": x, "weight_quant_packed": weight_quant_packed, "c": c}


def reference(x, weight_quant_packed, c):
    # F.embedding on packed uint8 table -> gather rows
    p = jnp.take(weight_quant_packed, x, axis=0)  # [B, F, D//2] uint8
    high = (p >> 4) & 15
    low = p & 15
    embedding_dim = p.shape[-1] * 2
    X_int4 = jnp.stack([high, low], axis=-1).reshape(x.shape + (embedding_dim,)).astype(jnp.float32)
    return (X_int4 - 7.0) / c

if __name__ == "__main__":
    import jax
    _d = setup_inputs()
    print(jax.jit(kernel)(*tuple(_d.values())))

</pallas_src>

<mosaic_0001>
#map = affine_map<(d0, d1) -> (0, 0)>
#map1 = affine_map<(d0, d1) -> (0)>
module attributes {stable_mosaic.version = 14 : i64} {
  func.func @k(%arg0: i32, %arg1: i32, %arg2: memref<100000x16xi32, #tpu.memory_space<hbm>>, %arg3: memref<425984xi32, #tpu.memory_space<hbm>>, %arg4: memref<16xf32, #tpu.memory_space<hbm>>, %arg5: memref<425984x128xf32, #tpu.memory_space<hbm>>, %arg6: memref<13312xi32, #tpu.memory_space<vmem>>, %arg7: memref<128x16xi32, #tpu.memory_space<vmem>>, %arg8: memref<128x16xi32, #tpu.memory_space<vmem>>, %arg9: memref<128x128xf32, #tpu.memory_space<vmem>>, %arg10: memref<128x128xf32, #tpu.memory_space<vmem>>, %arg11: memref<16xf32, #tpu.memory_space<vmem>>, %arg12: memref<!tpu.dma_semaphore, #tpu.memory_space<semaphore_mem>>, %arg13: memref<!tpu.dma_semaphore, #tpu.memory_space<semaphore_mem>>, %arg14: memref<!tpu.dma_semaphore, #tpu.memory_space<semaphore_mem>>, %arg15: memref<!tpu.dma_semaphore, #tpu.memory_space<semaphore_mem>>) attributes {dimension_semantics = [#tpu.dimension_semantics<core_parallel>, #tpu.dimension_semantics<subcore_parallel>], iteration_bounds = array<i64: 2, 16>, scalar_prefetch = 0 : i64, scratch_operands = 10 : i64, tpu.core_type = #tpu.core_type<sc_vector_subcore>, window_params = [{transform_indices = #map}, {transform_indices = #map1}, {transform_indices = #map1}, {transform_indices = #map}]} {
    %mul3A = arith.constant 2 : i32
    %mul3A_0 = arith.muli %arg1, %mul3A : i32
    %add3A = arith.addi %mul3A_0, %arg0 : i32
    %mul3A_1 = arith.constant 13312 : i32
    %mul3A_2 = arith.muli %add3A, %mul3A_1 : i32
    "tpu.region"() ({
      %run_scoped3A = tpu.sem_alloc : memref<!tpu.dma_semaphore, #tpu.memory_space<semaphore_mem>>
      %dma_start3A_49 = tpu.memref_slice %arg3[%mul3A_2] : memref<425984xi32, #tpu.memory_space<hbm>> -> memref<13312xi32, #tpu.memory_space<hbm>>
      %dma_start3A_50 = tpu.memref_slice %arg3[%mul3A_2] : memref<425984xi32, #tpu.memory_space<hbm>> -> memref<13312xi32, #tpu.memory_space<hbm>>
      tpu.enqueue_dma source(%dma_start3A_50 : memref<13312xi32, #tpu.memory_space<hbm>>) target(%arg6 : memref<13312xi32, #tpu.memory_space<vmem>>) target_semaphore(%run_scoped3A : memref<!tpu.dma_semaphore, #tpu.memory_space<semaphore_mem>>)
      %dma_wait3A_51 = tpu.memref_slice %arg3[%mul3A_2] : memref<425984xi32, #tpu.memory_space<hbm>> -> memref<13312xi32, #tpu.memory_space<hbm>>
      %dma_wait3A_52 = tpu.memref_slice %arg3[%mul3A_2] : memref<425984xi32, #tpu.memory_space<hbm>> -> memref<13312xi32, #tpu.memory_space<hbm>>
      tpu.wait_dma2 semaphore(%run_scoped3A : memref<!tpu.dma_semaphore, #tpu.memory_space<semaphore_mem>>) src(%dma_wait3A_52 : memref<13312xi32, #tpu.memory_space<hbm>>) dst(%arg6 : memref<13312xi32, #tpu.memory_space<vmem>>)
      tpu.yield
    }) : () -> ()
    "tpu.region"() ({
      %run_scoped3A = tpu.sem_alloc : memref<!tpu.dma_semaphore, #tpu.memory_space<semaphore_mem>>
      tpu.enqueue_dma source(%arg4 : memref<16xf32, #tpu.memory_space<hbm>>) target(%arg11 : memref<16xf32, #tpu.memory_space<vmem>>) target_semaphore(%run_scoped3A : memref<!tpu.dma_semaphore, #tpu.memory_space<semaphore_mem>>)
      tpu.wait_dma2 semaphore(%run_scoped3A : memref<!tpu.dma_semaphore, #tpu.memory_space<semaphore_mem>>) src(%arg4 : memref<16xf32, #tpu.memory_space<hbm>>) dst(%arg11 : memref<16xf32, #tpu.memory_space<vmem>>)
      tpu.yield
    }) : () -> ()
    %iota3A = tpu.iota {dimensions = array<i32: 0>} : vector<16xi32>
    %convert_element_type3A = arith.sitofp %iota3A : vector<16xi32> to vector<16xf32>
    %sub3A = arith.constant 7.000000e+00 : f32
    %sub3A_3 = vector.broadcast %sub3A : f32 to vector<16xf32>
    %sub3A_4 = arith.subf %convert_element_type3A, %sub3A_3 : vector<16xf32>
    %get3A = arith.constant 0 : index
    %get3A_5 = tpu.vector_load %arg11[%get3A] {strides = array<i32>} : memref<16xf32, #tpu.memory_space<vmem>>, vector<16xf32>,
    %get3A_6 = vector.shape_cast %get3A_5 : vector<16xf32> to vector<16xf32>
    %div3A = arith.divf %sub3A_4, %get3A_6 : vector<16xf32>
    %iota3A_7 = tpu.iota {dimensions = array<i32: 0>} : vector<16xi32>
    %shift_right_arithmetic3A = arith.constant 3 : i32
    %shift_right_arithmetic3A_8 = vector.broadcast %shift_right_arithmetic3A : i32 to vector<16xi32>
    %shift_right_arithmetic3A_9 = arith.shrsi %iota3A_7, %shift_right_arithmetic3A_8 : vector<16xi32>
    %shift_right_arithmetic3A_10 = arith.constant 1 : i32
    %shift_right_arithmetic3A_11 = vector.broadcast %shift_right_arithmetic3A_10 : i32 to vector<16xi32>
    %shift_right_arithmetic3A_12 = arith.shrsi %iota3A_7, %shift_right_arithmetic3A_11 : vector<16xi32>
    %and3A = arith.constant 3 : i32
    %and3A_13 = vector.broadcast %and3A : i32 to vector<16xi32>
    %and3A_14 = arith.andi %shift_right_arithmetic3A_12, %and3A_13 : vector<16xi32>
    %mul3A_15 = arith.constant 8 : i32
    %mul3A_16 = vector.broadcast %mul3A_15 : i32 to vector<16xi32>
    %mul3A_17 = arith.muli %and3A_14, %mul3A_16 : vector<16xi32>
    %and3A_18 = arith.constant 1 : i32
    %and3A_19 = vector.broadcast %and3A_18 : i32 to vector<16xi32>
    %and3A_20 = arith.andi %iota3A_7, %and3A_19 : vector<16xi32>
    %sub3A_21 = arith.constant 1 : i32
    %sub3A_22 = vector.broadcast %sub3A_21 : i32 to vector<16xi32>
    %sub3A_23 = arith.subi %sub3A_22, %and3A_20 : vector<16xi32>
    %mul3A_24 = arith.constant 4 : i32
    %mul3A_25 = vector.broadcast %mul3A_24 : i32 to vector<16xi32>
    %mul3A_26 = arith.muli %sub3A_23, %mul3A_25 : vector<16xi32>
    %add3A_27 = arith.addi %mul3A_17, %mul3A_26 : vector<16xi32>
    %dma_start3A = arith.constant 0 : i32
    %dma_start3A_28 = tpu.memref_slice %arg6[%dma_start3A] : memref<13312xi32, #tpu.memory_space<vmem>> -> memref<128xi32, #tpu.memory_space<vmem>>
    %dma_start3A_29 = arith.constant 0 : i32
    %dma_start3A_30 = arith.constant 0 : i32
    %dma_start3A_31 = tpu.memref_slice %arg2[%dma_start3A_29, %dma_start3A_30] : memref<100000x16xi32, #tpu.memory_space<hbm>> -> memref<100000x16xi32, #tpu.memory_space<hbm>>
    tpu.enqueue_indirect_dma source(%dma_start3A_31 : memref<100000x16xi32, #tpu.memory_space<hbm>>) target(%arg7 : memref<128x16xi32, #tpu.memory_space<vmem>>) offsets(%dma_start3A_28 : memref<128xi32, #tpu.memory_space<vmem>>) semaphore(%arg12 : memref<!tpu.dma_semaphore, #tpu.memory_space<semaphore_mem>>)
    %scan3A = arith.constant 0 : i32
    %scan3A_32 = arith.constant 0 : i32
    %scan3A_33 = arith.constant 52 : i32
    %scan3A_34 = arith.addi %scan3A_32, %scan3A_33 : i32
    %scan3A_35 = arith.constant 1 : i32
    %scan3A_36 = scf.for %scan3A_49 = %scan3A_32 to %scan3A_34 step %scan3A_35 iter_args(%scan3A_50 = %scan3A) -> (i32)  : i32 {
      %mul3A_51 = arith.constant 2 : i32
      %mul3A_52 = arith.muli %mul3A_51, %scan3A_49 : i32
      %add3A_53 = arith.constant 0 : i32
      %add3A_54 = arith.addi %mul3A_52, %add3A_53 : i32
      %add3A_55 = arith.constant 1 : i32
      %add3A_56 = arith.addi %add3A_54, %add3A_55 : i32
      %lt3A = arith.constant 104 : i32
      %lt3A_57 = arith.cmpi slt, %add3A_56, %lt3A : i32
      %convert_element_type3A_58 = arith.extui %lt3A_57 : i1 to i32
      %cond3A = arith.constant 0 : i32
      %cond3A_59 = arith.cmpi ne, %convert_element_type3A_58, %cond3A : i32
      scf.if %cond3A_59 {
        %mul3A_121 = arith.constant 128 : i32
        %mul3A_122 = arith.muli %add3A_56, %mul3A_121 : i32
        %dma_start3A_123 = tpu.memref_slice %arg6[%mul3A_122] : memref<13312xi32, #tpu.memory_space<vmem>> -> memref<128xi32, #tpu.memory_space<vmem>>
        %dma_start3A_124 = arith.constant 0 : i32
        %dma_start3A_125 = arith.constant 0 : i32
        %dma_start3A_126 = tpu.memref_slice %arg2[%dma_start3A_124, %dma_start3A_125] : memref<100000x16xi32, #tpu.memory_space<hbm>> -> memref<100000x16xi32, #tpu.memory_space<hbm>>
        tpu.enqueue_indirect_dma source(%dma_start3A_126 : memref<100000x16xi32, #tpu.memory_space<hbm>>) target(%arg8 : memref<128x16xi32, #tpu.memory_space<vmem>>) offsets(%dma_start3A_123 : memref<128xi32, #tpu.memory_space<vmem>>) semaphore(%arg13 : memref<!tpu.dma_semaphore, #tpu.memory_space<semaphore_mem>>)
      } else {
      }
      %dma_wait3A_60 = arith.constant 0 : i32
      %dma_wait3A_61 = arith.constant 0 : i32
      %dma_wait3A_62 = tpu.memref_slice %arg2[%dma_wait3A_60, %dma_wait3A_61] : memref<100000x16xi32, #tpu.memory_space<hbm>> -> memref<128x16xi32, #tpu.memory_space<hbm>>
      %dma_wait3A_63 = arith.constant 0 : i32
      %dma_wait3A_64 = arith.constant 0 : i32
      %dma_wait3A_65 = tpu.memref_slice %arg2[%dma_wait3A_63, %dma_wait3A_64] : memref<100000x16xi32, #tpu.memory_space<hbm>> -> memref<128x16xi32, #tpu.memory_space<hbm>>
      tpu.wait_dma2 semaphore(%arg12 : memref<!tpu.dma_semaphore, #tpu.memory_space<semaphore_mem>>) src(%dma_wait3A_65 : memref<128x16xi32, #tpu.memory_space<hbm>>) dst(%arg7 : memref<128x16xi32, #tpu.memory_space<vmem>>)
      %ge3A = arith.constant 2 : i32
      %ge3A_66 = arith.cmpi sge, %add3A_54, %ge3A : i32
      %convert_element_type3A_67 = arith.extui %ge3A_66 : i1 to i32
      %cond3A_68 = arith.constant 0 : i32
      %cond3A_69 = arith.cmpi ne, %convert_element_type3A_67, %cond3A_68 : i32
      scf.if %cond3A_69 {
        %dma_wait3A_121 = arith.constant 0 : i32
        %dma_wait3A_122 = arith.constant 0 : i32
        %dma_wait3A_123 = tpu.memref_slice %arg5[%dma_wait3A_121, %dma_wait3A_122] : memref<425984x128xf32, #tpu.memory_space<hbm>> -> memref<128x128xf32, #tpu.memory_space<hbm>>
        %dma_wait3A_124 = arith.constant 0 : i32
        %dma_wait3A_125 = arith.constant 0 : i32
        %dma_wait3A_126 = tpu.memref_slice %arg5[%dma_wait3A_124, %dma_wait3A_125] : memref<425984x128xf32, #tpu.memory_space<hbm>> -> memref<128x128xf32, #tpu.memory_space<hbm>>
        tpu.wait_dma2 semaphore(%arg14 : memref<!tpu.dma_semaphore, #tpu.memory_space<semaphore_mem>>) src(%arg9 : memref<128x128xf32, #tpu.memory_space<vmem>>) dst(%dma_wait3A_126 : memref<128x128xf32, #tpu.memory_space<hbm>>)
      } else {
      }
      %scan3A_70 = arith.constant 0 : i32
      %scan3A_71 = arith.constant 0 : i32
      %scan3A_72 = arith.constant 128 : i32
      %scan3A_73 = arith.addi %scan3A_71, %scan3A_72 : i32
      %scan3A_74 = arith.constant 4 : i32
      %scan3A_75 = scf.for %scan3A_121 = %scan3A_71 to %scan3A_73 step %scan3A_74 iter_args(%scan3A_122 = %scan3A_70) -> (i32)  : i32 {
        %get3A_123 = arith.index_cast %scan3A_121 : i32 to index
        %get3A_124 = arith.constant 0 : index
        %get3A_125 = tpu.vector_load %arg7[%get3A_123, %get3A_124] {strides = array<i32>} : memref<128x16xi32, #tpu.memory_space<vmem>>, vector<1x16xi32>,
        %get3A_126 = vector.shape_cast %get3A_125 : vector<1x16xi32> to vector<16xi32>
        %add3A_127 = arith.constant 0 : i32
        %add3A_128 = vector.broadcast %add3A_127 : i32 to vector<16xi32>
        %add3A_129 = arith.addi %shift_right_arithmetic3A_9, %add3A_128 : vector<16xi32>
        %broadcast_in_dim3A = vector.shape_cast %add3A_129 : vector<16xi32> to vector<16x1xi32>
        %gather3A = vector.shape_cast %broadcast_in_dim3A : vector<16x1xi32> to vector<16xi32>
        %gather3A_130 = tpu.dynamic_gather %get3A_126[%gather3A] in [0] : vector<16xi32>, vector<16xi32> -> vector<16xi32>
        %shift_right_logical3A = arith.shrui %gather3A_130, %add3A_27 : vector<16xi32>
        %and3A_131 = arith.constant 15 : i32
        %and3A_132 = vector.broadcast %and3A_131 : i32 to vector<16xi32>
        %and3A_133 = arith.andi %shift_right_logical3A, %and3A_132 : vector<16xi32>
        %broadcast_in_dim3A_134 = vector.shape_cast %and3A_133 : vector<16xi32> to vector<16x1xi32>
        %gather3A_135 = vector.shape_cast %broadcast_in_dim3A_134 : vector<16x1xi32> to vector<16xi32>
        %gather3A_136 = tpu.dynamic_gather %div3A[%gather3A_135] in [0] : vector<16xf32>, vector<16xi32> -> vector<16xf32>
        %swap3A = arith.index_cast %scan3A_121 : i32 to index
        %swap3A_137 = arith.constant 0 : index
        %swap3A_138 = tpu.vector_load %arg9[%swap3A, %swap3A_137] {strides = array<i32>} : memref<128x128xf32, #tpu.memory_space<vmem>>, vector<1x16xf32>,
        %swap3A_139 = vector.shape_cast %swap3A_138 : vector<1x16xf32> to vector<16xf32>
        %swap3A_140 = vector.shape_cast %gather3A_136 : vector<16xf32> to vector<1x16xf32>
        tpu.vector_store %arg9[%swap3A, %swap3A_137], %swap3A_140 {strides = array<i32>} : memref<128x128xf32, #tpu.memory_space<vmem>>, vector<1x16xf32>,
        %add3A_141 = arith.constant 2 : i32
        %add3A_142 = vector.broadcast %add3A_141 : i32 to vector<16xi32>
        %add3A_143 = arith.addi %shift_right_arithmetic3A_9, %add3A_142 : vector<16xi32>
        %broadcast_in_dim3A_144 = vector.shape_cast %add3A_143 : vector<16xi32> to vector<16x1xi32>
        %gather3A_145 = vector.shape_cast %broadcast_in_dim3A_144 : vector<16x1xi32> to vector<16xi32>
        %gather3A_146 = tpu.dynamic_gather %get3A_126[%gather3A_145] in [0] : vector<16xi32>, vector<16xi32> -> vector<16xi32>
        %shift_right_logical3A_147 = arith.shrui %gather3A_146, %add3A_27 : vector<16xi32>
        %and3A_148 = arith.constant 15 : i32
        %and3A_149 = vector.broadcast %and3A_148 : i32 to vector<16xi32>
        %and3A_150 = arith.andi %shift_right_logical3A_147, %and3A_149 : vector<16xi32>
        %broadcast_in_dim3A_151 = vector.shape_cast %and3A_150 : vector<16xi32> to vector<16x1xi32>
        %gather3A_152 = vector.shape_cast %broadcast_in_dim3A_151 : vector<16x1xi32> to vector<16xi32>
        %gather3A_153 = tpu.dynamic_gather %div3A[%gather3A_152] in [0] : vector<16xf32>, vector<16xi32> -> vector<16xf32>
        %swap3A_154 = arith.index_cast %scan3A_121 : i32 to index
        %swap3A_155 = arith.constant 16 : index
        %swap3A_156 = tpu.vector_load %arg9[%swap3A_154, %swap3A_155] {strides = array<i32>} : memref<128x128xf32, #tpu.memory_space<vmem>>, vector<1x16xf32>,
        %swap3A_157 = vector.shape_cast %swap3A_156 : vector<1x16xf32> to vector<16xf32>
        %swap3A_158 = vector.shape_cast %gather3A_153 : vector<16xf32> to vector<1x16xf32>
        tpu.vector_store %arg9[%swap3A_154, %swap3A_155], %swap3A_158 {strides = array<i32>} : memref<128x128xf32, #tpu.memory_space<vmem>>, vector<1x16xf32>,
        %add3A_159 = arith.constant 4 : i32
        %add3A_160 = vector.broadcast %add3A_159 : i32 to vector<16xi32>
        %add3A_161 = arith.addi %shift_right_arithmetic3A_9, %add3A_160 : vector<16xi32>
        %broadcast_in_dim3A_162 = vector.shape_cast %add3A_161 : vector<16xi32> to vector<16x1xi32>
        %gather3A_163 = vector.shape_cast %broadcast_in_dim3A_162 : vector<16x1xi32> to vector<16xi32>
        %gather3A_164 = tpu.dynamic_gather %get3A_126[%gather3A_163] in [0] : vector<16xi32>, vector<16xi32> -> vector<16xi32>
        %shift_right_logical3A_165 = arith.shrui %gather3A_164, %add3A_27 : vector<16xi32>
        %and3A_166 = arith.constant 15 : i32
        %and3A_167 = vector.broadcast %and3A_166 : i32 to vector<16xi32>
        %and3A_168 = arith.andi %shift_right_logical3A_165, %and3A_167 : vector<16xi32>
        %broadcast_in_dim3A_169 = vector.shape_cast %and3A_168 : vector<16xi32> to vector<16x1xi32>
        %gather3A_170 = vector.shape_cast %broadcast_in_dim3A_169 : vector<16x1xi32> to vector<16xi32>
        %gather3A_171 = tpu.dynamic_gather %div3A[%gather3A_170] in [0] : vector<16xf32>, vector<16xi32> -> vector<16xf32>
        %swap3A_172 = arith.index_cast %scan3A_121 : i32 to index
        %swap3A_173 = arith.constant 32 : index
        %swap3A_174 = tpu.vector_load %arg9[%swap3A_172, %swap3A_173] {strides = array<i32>} : memref<128x128xf32, #tpu.memory_space<vmem>>, vector<1x16xf32>,
        %swap3A_175 = vector.shape_cast %swap3A_174 : vector<1x16xf32> to vector<16xf32>
        %swap3A_176 = vector.shape_cast %gather3A_171 : vector<16xf32> to vector<1x16xf32>
        tpu.vector_store %arg9[%swap3A_172, %swap3A_173], %swap3A_176 {strides = array<i32>} : memref<128x128xf32, #tpu.memory_space<vmem>>, vector<1x16xf32>,
        %add3A_177 = arith.constant 6 : i32
        %add3A_178 = vector.broadcast %add3A_177 : i32 to vector<16xi32>
        %add3A_179 = arith.addi %shift_right_arithmetic3A_9, %add3A_178 : vector<16xi32>
        %broadcast_in_dim3A_180 = vector.shape_cast %add3A_179 : vector<16xi32> to vector<16x1xi32>
        %gather3A_181 = vector.shape_cast %broadcast_in_dim3A_180 : vector<16x1xi32> to vector<16xi32>
        %gather3A_182 = tpu.dynamic_gather %get3A_126[%gather3A_181] in [0] : vector<16xi32>, vector<16xi32> -> vector<16xi32>
        %shift_right_logical3A_183 = arith.shrui %gather3A_182, %add3A_27 : vector<16xi32>
        %and3A_184 = arith.constant 15 : i32
        %and3A_185 = vector.broadcast %and3A_184 : i32 to vector<16xi32>
        %and3A_186 = arith.andi %shift_right_logical3A_183, %and3A_185 : vector<16xi32>
        %broadcast_in_dim3A_187 = vector.shape_cast %and3A_186 : vector<16xi32> to vector<16x1xi32>
        %gather3A_188 = vector.shape_cast %broadcast_in_dim3A_187 : vector<16x1xi32> to vector<16xi32>
        %gather3A_189 = tpu.dynamic_gather %div3A[%gather3A_188] in [0] : vector<16xf32>, vector<16xi32> -> vector<16xf32>
        %swap3A_190 = arith.index_cast %scan3A_121 : i32 to index
        %swap3A_191 = arith.constant 48 : index
        %swap3A_192 = tpu.vector_load %arg9[%swap3A_190, %swap3A_191] {strides = array<i32>} : memref<128x128xf32, #tpu.memory_space<vmem>>, vector<1x16xf32>,
        %swap3A_193 = vector.shape_cast %swap3A_192 : vector<1x16xf32> to vector<16xf32>
        %swap3A_194 = vector.shape_cast %gather3A_189 : vector<16xf32> to vector<1x16xf32>
        tpu.vector_store %arg9[%swap3A_190, %swap3A_191], %swap3A_194 {strides = array<i32>} : memref<128x128xf32, #tpu.memory_space<vmem>>, vector<1x16xf32>,
        %add3A_195 = arith.constant 8 : i32
        %add3A_196 = vector.broadcast %add3A_195 : i32 to vector<16xi32>
        %add3A_197 = arith.addi %shift_right_arithmetic3A_9, %add3A_196 : vector<16xi32>
        %broadcast_in_dim3A_198 = vector.shape_cast %add3A_197 : vector<16xi32> to vector<16x1xi32>
        %gather3A_199 = vector.shape_cast %broadcast_in_dim3A_198 : vector<16x1xi32> to vector<16xi32>
        %gather3A_200 = tpu.dynamic_gather %get3A_126[%gather3A_199] in [0] : vector<16xi32>, vector<16xi32> -> vector<16xi32>
        %shift_right_logical3A_201 = arith.shrui %gather3A_200, %add3A_27 : vector<16xi32>
        %and3A_202 = arith.constant 15 : i32
        %and3A_203 = vector.broadcast %and3A_202 : i32 to vector<16xi32>
        %and3A_204 = arith.andi %shift_right_logical3A_201, %and3A_203 : vector<16xi32>
        %broadcast_in_dim3A_205 = vector.shape_cast %and3A_204 : vector<16xi32> to vector<16x1xi32>
        %gather3A_206 = vector.shape_cast %broadcast_in_dim3A_205 : vector<16x1xi32> to vector<16xi32>
        %gather3A_207 = tpu.dynamic_gather %div3A[%gather3A_206] in [0] : vector<16xf32>, vector<16xi32> -> vector<16xf32>
        %swap3A_208 = arith.index_cast %scan3A_121 : i32 to index
        %swap3A_209 = arith.constant 64 : index
        %swap3A_210 = tpu.vector_load %arg9[%swap3A_208, %swap3A_209] {strides = array<i32>} : memref<128x128xf32, #tpu.memory_space<vmem>>, vector<1x16xf32>,
        %swap3A_211 = vector.shape_cast %swap3A_210 : vector<1x16xf32> to vector<16xf32>
        %swap3A_212 = vector.shape_cast %gather3A_207 : vector<16xf32> to vector<1x16xf32>
        tpu.vector_store %arg9[%swap3A_208, %swap3A_209], %swap3A_212 {strides = array<i32>} : memref<128x128xf32, #tpu.memory_space<vmem>>, vector<1x16xf32>,
        %add3A_213 = arith.constant 10 : i32
        %add3A_214 = vector.broadcast %add3A_213 : i32 to vector<16xi32>
        %add3A_215 = arith.addi %shift_right_arithmetic3A_9, %add3A_214 : vector<16xi32>
        %broadcast_in_dim3A_216 = vector.shape_cast %add3A_215 : vector<16xi32> to vector<16x1xi32>
        %gather3A_217 = vector.shape_cast %broadcast_in_dim3A_216 : vector<16x1xi32> to vector<16xi32>
        %gather3A_218 = tpu.dynamic_gather %get3A_126[%gather3A_217] in [0] : vector<16xi32>, vector<16xi32> -> vector<16xi32>
        %shift_right_logical3A_219 = arith.shrui %gather3A_218, %add3A_27 : vector<16xi32>
        %and3A_220 = arith.constant 15 : i32
        %and3A_221 = vector.broadcast %and3A_220 : i32 to vector<16xi32>
        %and3A_222 = arith.andi %shift_right_logical3A_219, %and3A_221 : vector<16xi32>
        %broadcast_in_dim3A_223 = vector.shape_cast %and3A_222 : vector<16xi32> to vector<16x1xi32>
        %gather3A_224 = vector.shape_cast %broadcast_in_dim3A_223 : vector<16x1xi32> to vector<16xi32>
        %gather3A_225 = tpu.dynamic_gather %div3A[%gather3A_224] in [0] : vector<16xf32>, vector<16xi32> -> vector<16xf32>
        %swap3A_226 = arith.index_cast %scan3A_121 : i32 to index
        %swap3A_227 = arith.constant 80 : index
        %swap3A_228 = tpu.vector_load %arg9[%swap3A_226, %swap3A_227] {strides = array<i32>} : memref<128x128xf32, #tpu.memory_space<vmem>>, vector<1x16xf32>,
        %swap3A_229 = vector.shape_cast %swap3A_228 : vector<1x16xf32> to vector<16xf32>
        %swap3A_230 = vector.shape_cast %gather3A_225 : vector<16xf32> to vector<1x16xf32>
        tpu.vector_store %arg9[%swap3A_226, %swap3A_227], %swap3A_230 {strides = array<i32>} : memref<128x128xf32, #tpu.memory_space<vmem>>, vector<1x16xf32>,
        %add3A_231 = arith.constant 12 : i32
        %add3A_232 = vector.broadcast %add3A_231 : i32 to vector<16xi32>
        %add3A_233 = arith.addi %shift_right_arithmetic3A_9, %add3A_232 : vector<16xi32>
        %broadcast_in_dim3A_234 = vector.shape_cast %add3A_233 : vector<16xi32> to vector<16x1xi32>
        %gather3A_235 = vector.shape_cast %broadcast_in_dim3A_234 : vector<16x1xi32> to vector<16xi32>
        %gather3A_236 = tpu.dynamic_gather %get3A_126[%gather3A_235] in [0] : vector<16xi32>, vector<16xi32> -> vector<16xi32>
        %shift_right_logical3A_237 = arith.shrui %gather3A_236, %add3A_27 : vector<16xi32>
        %and3A_238 = arith.constant 15 : i32
        %and3A_239 = vector.broadcast %and3A_238 : i32 to vector<16xi32>
        %and3A_240 = arith.andi %shift_right_logical3A_237, %and3A_239 : vector<16xi32>
        %broadcast_in_dim3A_241 = vector.shape_cast %and3A_240 : vector<16xi32> to vector<16x1xi32>
        %gather3A_242 = vector.shape_cast %broadcast_in_dim3A_241 : vector<16x1xi32> to vector<16xi32>
        %gather3A_243 = tpu.dynamic_gather %div3A[%gather3A_242] in [0] : vector<16xf32>, vector<16xi32> -> vector<16xf32>
        %swap3A_244 = arith.index_cast %scan3A_121 : i32 to index
        %swap3A_245 = arith.constant 96 : index
        %swap3A_246 = tpu.vector_load %arg9[%swap3A_244, %swap3A_245] {strides = array<i32>} : memref<128x128xf32, #tpu.memory_space<vmem>>, vector<1x16xf32>,
        %swap3A_247 = vector.shape_cast %swap3A_246 : vector<1x16xf32> to vector<16xf32>
        %swap3A_248 = vector.shape_cast %gather3A_243 : vector<16xf32> to vector<1x16xf32>
        tpu.vector_store %arg9[%swap3A_244, %swap3A_245], %swap3A_248 {strides = array<i32>} : memref<128x128xf32, #tpu.memory_space<vmem>>, vector<1x16xf32>,
        %add3A_249 = arith.constant 14 : i32
        %add3A_250 = vector.broadcast %add3A_249 : i32 to vector<16xi32>
        %add3A_251 = arith.addi %shift_right_arithmetic3A_9, %add3A_250 : vector<16xi32>
        %broadcast_in_dim3A_252 = vector.shape_cast %add3A_251 : vector<16xi32> to vector<16x1xi32>
        %gather3A_253 = vector.shape_cast %broadcast_in_dim3A_252 : vector<16x1xi32> to vector<16xi32>
        %gather3A_254 = tpu.dynamic_gather %get3A_126[%gather3A_253] in [0] : vector<16xi32>, vector<16xi32> -> vector<16xi32>
        %shift_right_logical3A_255 = arith.shrui %gather3A_254, %add3A_27 : vector<16xi32>
        %and3A_256 = arith.constant 15 : i32
        %and3A_257 = vector.broadcast %and3A_256 : i32 to vector<16xi32>
        %and3A_258 = arith.andi %shift_right_logical3A_255, %and3A_257 : vector<16xi32>
        %broadcast_in_dim3A_259 = vector.shape_cast %and3A_258 : vector<16xi32> to vector<16x1xi32>
        %gather3A_260 = vector.shape_cast %broadcast_in_dim3A_259 : vector<16x1xi32> to vector<16xi32>
        %gather3A_261 = tpu.dynamic_gather %div3A[%gather3A_260] in [0] : vector<16xf32>, vector<16xi32> -> vector<16xf32>
        %swap3A_262 = arith.index_cast %scan3A_121 : i32 to index
        %swap3A_263 = arith.constant 112 : index
        %swap3A_264 = tpu.vector_load %arg9[%swap3A_262, %swap3A_263] {strides = array<i32>} : memref<128x128xf32, #tpu.memory_space<vmem>>, vector<1x16xf32>,
        %swap3A_265 = vector.shape_cast %swap3A_264 : vector<1x16xf32> to vector<16xf32>
        %swap3A_266 = vector.shape_cast %gather3A_261 : vector<16xf32> to vector<1x16xf32>
        tpu.vector_store %arg9[%swap3A_262, %swap3A_263], %swap3A_266 {strides = array<i32>} : memref<128x128xf32, #tpu.memory_space<vmem>>, vector<1x16xf32>,
        %scan3A_267 = arith.constant 0 : i32
        %scan3A_268 = arith.constant 1 : i32
        %scan3A_269 = arith.addi %scan3A_121, %scan3A_268 : i32
        %get3A_270 = arith.index_cast %scan3A_269 : i32 to index
        %get3A_271 = arith.constant 0 : index
        %get3A_272 = tpu.vector_load %arg7[%get3A_270, %get3A_271] {strides = array<i32>} : memref<128x16xi32, #tpu.memory_space<vmem>>, vector<1x16xi32>,
        %get3A_273 = vector.shape_cast %get3A_272 : vector<1x16xi32> to vector<16xi32>
        %add3A_274 = arith.constant 0 : i32
        %add3A_275 = vector.broadcast %add3A_274 : i32 to vector<16xi32>
        %add3A_276 = arith.addi %shift_right_arithmetic3A_9, %add3A_275 : vector<16xi32>
        %broadcast_in_dim3A_277 = vector.shape_cast %add3A_276 : vector<16xi32> to vector<16x1xi32>
        %gather3A_278 = vector.shape_cast %broadcast_in_dim3A_277 : vector<16x1xi32> to vector<16xi32>
        %gather3A_279 = tpu.dynamic_gather %get3A_273[%gather3A_278] in [0] : vector<16xi32>, vector<16xi32> -> vector<16xi32>
        %shift_right_logical3A_280 = arith.shrui %gather3A_279, %add3A_27 : vector<16xi32>
        %and3A_281 = arith.constant 15 : i32
        %and3A_282 = vector.broadcast %and3A_281 : i32 to vector<16xi32>
        %and3A_283 = arith.andi %shift_right_logical3A_280, %and3A_282 : vector<16xi32>
        %broadcast_in_dim3A_284 = vector.shape_cast %and3A_283 : vector<16xi32> to vector<16x1xi32>
        %gather3A_285 = vector.shape_cast %broadcast_in_dim3A_284 : vector<16x1xi32> to vector<16xi32>
        %gather3A_286 = tpu.dynamic_gather %div3A[%gather3A_285] in [0] : vector<16xf32>, vector<16xi32> -> vector<16xf32>
        %swap3A_287 = arith.index_cast %scan3A_269 : i32 to index
        %swap3A_288 = arith.constant 0 : index
        %swap3A_289 = tpu.vector_load %arg9[%swap3A_287, %swap3A_288] {strides = array<i32>} : memref<128x128xf32, #tpu.memory_space<vmem>>, vector<1x16xf32>,
        %swap3A_290 = vector.shape_cast %swap3A_289 : vector<1x16xf32> to vector<16xf32>
        %swap3A_291 = vector.shape_cast %gather3A_286 : vector<16xf32> to vector<1x16xf32>
        tpu.vector_store %arg9[%swap3A_287, %swap3A_288], %swap3A_291 {strides = array<i32>} : memref<128x128xf32, #tpu.memory_space<vmem>>, vector<1x16xf32>,
        %add3A_292 = arith.constant 2 : i32
        %add3A_293 = vector.broadcast %add3A_292 : i32 to vector<16xi32>
        %add3A_294 = arith.addi %shift_right_arithmetic3A_9, %add3A_293 : vector<16xi32>
        %broadcast_in_dim3A_295 = vector.shape_cast %add3A_294 : vector<16xi32> to vector<16x1xi32>
        %gather3A_296 = vector.shape_cast %broadcast_in_dim3A_295 : vector<16x1xi32> to vector<16xi32>
        %gather3A_297 = tpu.dynamic_gather %get3A_273[%gather3A_296] in [0] : vector<16xi32>, vector<16xi32> -> vector<16xi32>
        %shift_right_logical3A_298 = arith.shrui %gather3A_297, %add3A_27 : vector<16xi32>
        %and3A_299 = arith.constant 15 : i32
        %and3A_300 = vector.broadcast %and3A_299 : i32 to vector<16xi32>
        %and3A_301 = arith.andi %shift_right_logical3A_298, %and3A_300 : vector<16xi32>
        %broadcast_in_dim3A_302 = vector.shape_cast %and3A_301 : vector<16xi32> to vector<16x1xi32>
        %gather3A_303 = vector.shape_cast %broadcast_in_dim3A_302 : vector<16x1xi32> to vector<16xi32>
        %gather3A_304 = tpu.dynamic_gather %div3A[%gather3A_303] in [0] : vector<16xf32>, vector<16xi32> -> vector<16xf32>
        %swap3A_305 = arith.index_cast %scan3A_269 : i32 to index
        %swap3A_306 = arith.constant 16 : index
        %swap3A_307 = tpu.vector_load %arg9[%swap3A_305, %swap3A_306] {strides = array<i32>} : memref<128x128xf32, #tpu.memory_space<vmem>>, vector<1x16xf32>,
        %swap3A_308 = vector.shape_cast %swap3A_307 : vector<1x16xf32> to vector<16xf32>
        %swap3A_309 = vector.shape_cast %gather3A_304 : vector<16xf32> to vector<1x16xf32>
        tpu.vector_store %arg9[%swap3A_305, %swap3A_306], %swap3A_309 {strides = array<i32>} : memref<128x128xf32, #tpu.memory_space<vmem>>, vector<1x16xf32>,
        %add3A_310 = arith.constant 4 : i32
        %add3A_311 = vector.broadcast %add3A_310 : i32 to vector<16xi32>
        %add3A_312 = arith.addi %shift_right_arithmetic3A_9, %add3A_311 : vector<16xi32>
        %broadcast_in_dim3A_313 = vector.shape_cast %add3A_312 : vector<16xi32> to vector<16x1xi32>
        %gather3A_314 = vector.shape_cast %broadcast_in_dim3A_313 : vector<16x1xi32> to vector<16xi32>
        %gather3A_315 = tpu.dynamic_gather %get3A_273[%gather3A_314] in [0] : vector<16xi32>, vector<16xi32> -> vector<16xi32>
        %shift_right_logical3A_316 = arith.shrui %gather3A_315, %add3A_27 : vector<16xi32>
        %and3A_317 = arith.constant 15 : i32
        %and3A_318 = vector.broadcast %and3A_317 : i32 to vector<16xi32>
        %and3A_319 = arith.andi %shift_right_logical3A_316, %and3A_318 : vector<16xi32>
        %broadcast_in_dim3A_320 = vector.shape_cast %and3A_319 : vector<16xi32> to vector<16x1xi32>
        %gather3A_321 = vector.shape_cast %broadcast_in_dim3A_320 : vector<16x1xi32> to vector<16xi32>
        %gather3A_322 = tpu.dynamic_gather %div3A[%gather3A_321] in [0] : vector<16xf32>, vector<16xi32> -> vector<16xf32>
        %swap3A_323 = arith.index_cast %scan3A_269 : i32 to index
        %swap3A_324 = arith.constant 32 : index
        %swap3A_325 = tpu.vector_load %arg9[%swap3A_323, %swap3A_324] {strides = array<i32>} : memref<128x128xf32, #tpu.memory_space<vmem>>, vector<1x16xf32>,
        %swap3A_326 = vector.shape_cast %swap3A_325 : vector<1x16xf32> to vector<16xf32>
        %swap3A_327 = vector.shape_cast %gather3A_322 : vector<16xf32> to vector<1x16xf32>
        tpu.vector_store %arg9[%swap3A_323, %swap3A_324], %swap3A_327 {strides = array<i32>} : memref<128x128xf32, #tpu.memory_space<vmem>>, vector<1x16xf32>,
        %add3A_328 = arith.constant 6 : i32
        %add3A_329 = vector.broadcast %add3A_328 : i32 to vector<16xi32>
        %add3A_330 = arith.addi %shift_right_arithmetic3A_9, %add3A_329 : vector<16xi32>
        %broadcast_in_dim3A_331 = vector.shape_cast %add3A_330 : vector<16xi32> to vector<16x1xi32>
        %gather3A_332 = vector.shape_cast %broadcast_in_dim3A_331 : vector<16x1xi32> to vector<16xi32>
        %gather3A_333 = tpu.dynamic_gather %get3A_273[%gather3A_332] in [0] : vector<16xi32>, vector<16xi32> -> vector<16xi32>
        %shift_right_logical3A_334 = arith.shrui %gather3A_333, %add3A_27 : vector<16xi32>
        %and3A_335 = arith.constant 15 : i32
        %and3A_336 = vector.broadcast %and3A_335 : i32 to vector<16xi32>
        %and3A_337 = arith.andi %shift_right_logical3A_334, %and3A_336 : vector<16xi32>
        %broadcast_in_dim3A_338 = vector.shape_cast %and3A_337 : vector<16xi32> to vector<16x1xi32>
        %gather3A_339 = vector.shape_cast %broadcast_in_dim3A_338 : vector<16x1xi32> to vector<16xi32>
        %gather3A_340 = tpu.dynamic_gather %div3A[%gather3A_339] in [0] : vector<16xf32>, vector<16xi32> -> vector<16xf32>
        %swap3A_341 = arith.index_cast %scan3A_269 : i32 to index
        %swap3A_342 = arith.constant 48 : index
        %swap3A_343 = tpu.vector_load %arg9[%swap3A_341, %swap3A_342] {strides = array<i32>} : memref<128x128xf32, #tpu.memory_space<vmem>>, vector<1x16xf32>,
        %swap3A_344 = vector.shape_cast %swap3A_343 : vector<1x16xf32> to vector<16xf32>
        %swap3A_345 = vector.shape_cast %gather3A_340 : vector<16xf32> to vector<1x16xf32>
        tpu.vector_store %arg9[%swap3A_341, %swap3A_342], %swap3A_345 {strides = array<i32>} : memref<128x128xf32, #tpu.memory_space<vmem>>, vector<1x16xf32>,
        %add3A_346 = arith.constant 8 : i32
        %add3A_347 = vector.broadcast %add3A_346 : i32 to vector<16xi32>
        %add3A_348 = arith.addi %shift_right_arithmetic3A_9, %add3A_347 : vector<16xi32>
        %broadcast_in_dim3A_349 = vector.shape_cast %add3A_348 : vector<16xi32> to vector<16x1xi32>
        %gather3A_350 = vector.shape_cast %broadcast_in_dim3A_349 : vector<16x1xi32> to vector<16xi32>
        %gather3A_351 = tpu.dynamic_gather %get3A_273[%gather3A_350] in [0] : vector<16xi32>, vector<16xi32> -> vector<16xi32>
        %shift_right_logical3A_352 = arith.shrui %gather3A_351, %add3A_27 : vector<16xi32>
        %and3A_353 = arith.constant 15 : i32
        %and3A_354 = vector.broadcast %and3A_353 : i32 to vector<16xi32>
        %and3A_355 = arith.andi %shift_right_logical3A_352, %and3A_354 : vector<16xi32>
        %broadcast_in_dim3A_356 = vector.shape_cast %and3A_355 : vector<16xi32> to vector<16x1xi32>
        %gather3A_357 = vector.shape_cast %broadcast_in_dim3A_356 : vector<16x1xi32> to vector<16xi32>
        %gather3A_358 = tpu.dynamic_gather %div3A[%gather3A_357] in [0] : vector<16xf32>, vector<16xi32> -> vector<16xf32>
        %swap3A_359 = arith.index_cast %scan3A_269 : i32 to index
        %swap3A_360 = arith.constant 64 : index
        %swap3A_361 = tpu.vector_load %arg9[%swap3A_359, %swap3A_360] {strides = array<i32>} : memref<128x128xf32, #tpu.memory_space<vmem>>, vector<1x16xf32>,
        %swap3A_362 = vector.shape_cast %swap3A_361 : vector<1x16xf32> to vector<16xf32>
        %swap3A_363 = vector.shape_cast %gather3A_358 : vector<16xf32> to vector<1x16xf32>
        tpu.vector_store %arg9[%swap3A_359, %swap3A_360], %swap3A_363 {strides = array<i32>} : memref<128x128xf32, #tpu.memory_space<vmem>>, vector<1x16xf32>,
        %add3A_364 = arith.constant 10 : i32
        %add3A_365 = vector.broadcast %add3A_364 : i32 to vector<16xi32>
        %add3A_366 = arith.addi %shift_right_arithmetic3A_9, %add3A_365 : vector<16xi32>
        %broadcast_in_dim3A_367 = vector.shape_cast %add3A_366 : vector<16xi32> to vector<16x1xi32>
        %gather3A_368 = vector.shape_cast %broadcast_in_dim3A_367 : vector<16x1xi32> to vector<16xi32>
        %gather3A_369 = tpu.dynamic_gather %get3A_273[%gather3A_368] in [0] : vector<16xi32>, vector<16xi32> -> vector<16xi32>
        %shift_right_logical3A_370 = arith.shrui %gather3A_369, %add3A_27 : vector<16xi32>
        %and3A_371 = arith.constant 15 : i32
        %and3A_372 = vector.broadcast %and3A_371 : i32 to vector<16xi32>
        %and3A_373 = arith.andi %shift_right_logical3A_370, %and3A_372 : vector<16xi32>
        %broadcast_in_dim3A_374 = vector.shape_cast %and3A_373 : vector<16xi32> to vector<16x1xi32>
        %gather3A_375 = vector.shape_cast %broadcast_in_dim3A_374 : vector<16x1xi32> to vector<16xi32>
        %gather3A_376 = tpu.dynamic_gather %div3A[%gather3A_375] in [0] : vector<16xf32>, vector<16xi32> -> vector<16xf32>
        %swap3A_377 = arith.index_cast %scan3A_269 : i32 to index
        %swap3A_378 = arith.constant 80 : index
        %swap3A_379 = tpu.vector_load %arg9[%swap3A_377, %swap3A_378] {strides = array<i32>} : memref<128x128xf32, #tpu.memory_space<vmem>>, vector<1x16xf32>,
        %swap3A_380 = vector.shape_cast %swap3A_379 : vector<1x16xf32> to vector<16xf32>
        %swap3A_381 = vector.shape_cast %gather3A_376 : vector<16xf32> to vector<1x16xf32>
        tpu.vector_store %arg9[%swap3A_377, %swap3A_378], %swap3A_381 {strides = array<i32>} : memref<128x128xf32, #tpu.memory_space<vmem>>, vector<1x16xf32>,
        %add3A_382 = arith.constant 12 : i32
        %add3A_383 = vector.broadcast %add3A_382 : i32 to vector<16xi32>
        %add3A_384 = arith.addi %shift_right_arithmetic3A_9, %add3A_383 : vector<16xi32>
        %broadcast_in_dim3A_385 = vector.shape_cast %add3A_384 : vector<16xi32> to vector<16x1xi32>
        %gather3A_386 = vector.shape_cast %broadcast_in_dim3A_385 : vector<16x1xi32> to vector<16xi32>
        %gather3A_387 = tpu.dynamic_gather %get3A_273[%gather3A_386] in [0] : vector<16xi32>, vector<16xi32> -> vector<16xi32>
        %shift_right_logical3A_388 = arith.shrui %gather3A_387, %add3A_27 : vector<16xi32>
        %and3A_389 = arith.constant 15 : i32
        %and3A_390 = vector.broadcast %and3A_389 : i32 to vector<16xi32>
        %and3A_391 = arith.andi %shift_right_logical3A_388, %and3A_390 : vector<16xi32>
        %broadcast_in_dim3A_392 = vector.shape_cast %and3A_391 : vector<16xi32> to vector<16x1xi32>
        %gather3A_393 = vector.shape_cast %broadcast_in_dim3A_392 : vector<16x1xi32> to vector<16xi32>
        %gather3A_394 = tpu.dynamic_gather %div3A[%gather3A_393] in [0] : vector<16xf32>, vector<16xi32> -> vector<16xf32>
        %swap3A_395 = arith.index_cast %scan3A_269 : i32 to index
        %swap3A_396 = arith.constant 96 : index
        %swap3A_397 = tpu.vector_load %arg9[%swap3A_395, %swap3A_396] {strides = array<i32>} : memref<128x128xf32, #tpu.memory_space<vmem>>, vector<1x16xf32>,
        %swap3A_398 = vector.shape_cast %swap3A_397 : vector<1x16xf32> to vector<16xf32>
        %swap3A_399 = vector.shape_cast %gather3A_394 : vector<16xf32> to vector<1x16xf32>
        tpu.vector_store %arg9[%swap3A_395, %swap3A_396], %swap3A_399 {strides = array<i32>} : memref<128x128xf32, #tpu.memory_space<vmem>>, vector<1x16xf32>,
        %add3A_400 = arith.constant 14 : i32
        %add3A_401 = vector.broadcast %add3A_400 : i32 to vector<16xi32>
        %add3A_402 = arith.addi %shift_right_arithmetic3A_9, %add3A_401 : vector<16xi32>
        %broadcast_in_dim3A_403 = vector.shape_cast %add3A_402 : vector<16xi32> to vector<16x1xi32>
        %gather3A_404 = vector.shape_cast %broadcast_in_dim3A_403 : vector<16x1xi32> to vector<16xi32>
        %gather3A_405 = tpu.dynamic_gather %get3A_273[%gather3A_404] in [0] : vector<16xi32>, vector<16xi32> -> vector<16xi32>
        %shift_right_logical3A_406 = arith.shrui %gather3A_405, %add3A_27 : vector<16xi32>
        %and3A_407 = arith.constant 15 : i32
        %and3A_408 = vector.broadcast %and3A_407 : i32 to vector<16xi32>
        %and3A_409 = arith.andi %shift_right_logical3A_406, %and3A_408 : vector<16xi32>
        %broadcast_in_dim3A_410 = vector.shape_cast %and3A_409 : vector<16xi32> to vector<16x1xi32>
        %gather3A_411 = vector.shape_cast %broadcast_in_dim3A_410 : vector<16x1xi32> to vector<16xi32>
        %gather3A_412 = tpu.dynamic_gather %div3A[%gather3A_411] in [0] : vector<16xf32>, vector<16xi32> -> vector<16xf32>
        %swap3A_413 = arith.index_cast %scan3A_269 : i32 to index
        %swap3A_414 = arith.constant 112 : index
        %swap3A_415 = tpu.vector_load %arg9[%swap3A_413, %swap3A_414] {strides = array<i32>} : memref<128x128xf32, #tpu.memory_space<vmem>>, vector<1x16xf32>,
        %swap3A_416 = vector.shape_cast %swap3A_415 : vector<1x16xf32> to vector<16xf32>
        %swap3A_417 = vector.shape_cast %gather3A_412 : vector<16xf32> to vector<1x16xf32>
        tpu.vector_store %arg9[%swap3A_413, %swap3A_414], %swap3A_417 {strides = array<i32>} : memref<128x128xf32, #tpu.memory_space<vmem>>, vector<1x16xf32>,
        %scan3A_418 = arith.constant 0 : i32
        %scan3A_419 = arith.constant 2 : i32
        %scan3A_420 = arith.addi %scan3A_121, %scan3A_419 : i32
        %get3A_421 = arith.index_cast %scan3A_420 : i32 to index
        %get3A_422 = arith.constant 0 : index
        %get3A_423 = tpu.vector_load %arg7[%get3A_421, %get3A_422] {strides = array<i32>} : memref<128x16xi32, #tpu.memory_space<vmem>>, vector<1x16xi32>,
        %get3A_424 = vector.shape_cast %get3A_423 : vector<1x16xi32> to vector<16xi32>
        %add3A_425 = arith.constant 0 : i32
        %add3A_426 = vector.broadcast %add3A_425 : i32 to vector<16xi32>
        %add3A_427 = arith.addi %shift_right_arithmetic3A_9, %add3A_426 : vector<16xi32>
        %broadcast_in_dim3A_428 = vector.shape_cast %add3A_427 : vector<16xi32> to vector<16x1xi32>
        %gather3A_429 = vector.shape_cast %broadcast_in_dim3A_428 : vector<16x1xi32> to vector<16xi32>
        %gather3A_430 = tpu.dynamic_gather %get3A_424[%gather3A_429] in [0] : vector<16xi32>, vector<16xi32> -> vector<16xi32>
        %shift_right_logical3A_431 = arith.shrui %gather3A_430, %add3A_27 : vector<16xi32>
        %and3A_432 = arith.constant 15 : i32
        %and3A_433 = vector.broadcast %and3A_432 : i32 to vector<16xi32>
        %and3A_434 = arith.andi %shift_right_logical3A_431, %and3A_433 : vector<16xi32>
        %broadcast_in_dim3A_435 = vector.shape_cast %and3A_434 : vector<16xi32> to vector<16x1xi32>
        %gather3A_436 = vector.shape_cast %broadcast_in_dim3A_435 : vector<16x1xi32> to vector<16xi32>
        %gather3A_437 = tpu.dynamic_gather %div3A[%gather3A_436] in [0] : vector<16xf32>, vector<16xi32> -> vector<16xf32>
        %swap3A_438 = arith.index_cast %scan3A_420 : i32 to index
        %swap3A_439 = arith.constant 0 : index
        %swap3A_440 = tpu.vector_load %arg9[%swap3A_438, %swap3A_439] {strides = array<i32>} : memref<128x128xf32, #tpu.memory_space<vmem>>, vector<1x16xf32>,
        %swap3A_441 = vector.shape_cast %swap3A_440 : vector<1x16xf32> to vector<16xf32>
        %swap3A_442 = vector.shape_cast %gather3A_437 : vector<16xf32> to vector<1x16xf32>
        tpu.vector_store %arg9[%swap3A_438, %swap3A_439], %swap3A_442 {strides = array<i32>} : memref<128x128xf32, #tpu.memory_space<vmem>>, vector<1x16xf32>,
        %add3A_443 = arith.constant 2 : i32
        %add3A_444 = vector.broadcast %add3A_443 : i32 to vector<16xi32>
        %add3A_445 = arith.addi %shift_right_arithmetic3A_9, %add3A_444 : vector<16xi32>
        %broadcast_in_dim3A_446 = vector.shape_cast %add3A_445 : vector<16xi32> to vector<16x1xi32>
        %gather3A_447 = vector.shape_cast %broadcast_in_dim3A_446 : vector<16x1xi32> to vector<16xi32>
        %gather3A_448 = tpu.dynamic_gather %get3A_424[%gather3A_447] in [0] : vector<16xi32>, vector<16xi32> -> vector<16xi32>
        %shift_right_logical3A_449 = arith.shrui %gather3A_448, %add3A_27 : vector<16xi32>
        %and3A_450 = arith.constant 15 : i32
        %and3A_451 = vector.broadcast %and3A_450 : i32 to vector<16xi32>
        %and3A_452 = arith.andi %shift_right_logical3A_449, %and3A_451 : vector<16xi32>
        %broadcast_in_dim3A_453 = vector.shape_cast %and3A_452 : vector<16xi32> to vector<16x1xi32>
        %gather3A_454 = vector.shape_cast %broadcast_in_dim3A_453 : vector<16x1xi32> to vector<16xi32>
        %gather3A_455 = tpu.dynamic_gather %div3A[%gather3A_454] in [0] : vector<16xf32>, vector<16xi32> -> vector<16xf32>
        %swap3A_456 = arith.index_cast %scan3A_420 : i32 to index
        %swap3A_457 = arith.constant 16 : index
        %swap3A_458 = tpu.vector_load %arg9[%swap3A_456, %swap3A_457] {strides = array<i32>} : memref<128x128xf32, #tpu.memory_space<vmem>>, vector<1x16xf32>,
        %swap3A_459 = vector.shape_cast %swap3A_458 : vector<1x16xf32> to vector<16xf32>
        %swap3A_460 = vector.shape_cast %gather3A_455 : vector<16xf32> to vector<1x16xf32>
        tpu.vector_store %arg9[%swap3A_456, %swap3A_457], %swap3A_460 {strides = array<i32>} : memref<128x128xf32, #tpu.memory_space<vmem>>, vector<1x16xf32>,
        %add3A_461 = arith.constant 4 : i32
        %add3A_462 = vector.broadcast %add3A_461 : i32 to vector<16xi32>
        %add3A_463 = arith.addi %shift_right_arithmetic3A_9, %add3A_462 : vector<16xi32>
        %broadcast_in_dim3A_464 = vector.shape_cast %add3A_463 : vector<16xi32> to vector<16x1xi32>
        %gather3A_465 = vector.shape_cast %broadcast_in_dim3A_464 : vector<16x1xi32> to vector<16xi32>
        %gather3A_466 = tpu.dynamic_gather %get3A_424[%gather3A_465] in [0] : vector<16xi32>, vector<16xi32> -> vector<16xi32>
        %shift_right_logical3A_467 = arith.shrui %gather3A_466, %add3A_27 : vector<16xi32>
        %and3A_468 = arith.constant 15 : i32
        %and3A_469 = vector.broadcast %and3A_468 : i32 to vector<16xi32>
        %and3A_470 = arith.andi %shift_right_logical3A_467, %and3A_469 : vector<16xi32>
        %broadcast_in_dim3A_471 = vector.shape_cast %and3A_470 : vector<16xi32> to vector<16x1xi32>
        %gather3A_472 = vector.shape_cast %broadcast_in_dim3A_471 : vector<16x1xi32> to vector<16xi32>
        %gather3A_473 = tpu.dynamic_gather %div3A[%gather3A_472] in [0] : vector<16xf32>, vector<16xi32> -> vector<16xf32>
        %swap3A_474 = arith.index_cast %scan3A_420 : i32 to index
        %swap3A_475 = arith.constant 32 : index
        %swap3A_476 = tpu.vector_load %arg9[%swap3A_474, %swap3A_475] {strides = array<i32>} : memref<128x128xf32, #tpu.memory_space<vmem>>, vector<1x16xf32>,
        %swap3A_477 = vector.shape_cast %swap3A_476 : vector<1x16xf32> to vector<16xf32>
        %swap3A_478 = vector.shape_cast %gather3A_473 : vector<16xf32> to vector<1x16xf32>
        tpu.vector_store %arg9[%swap3A_474, %swap3A_475], %swap3A_478 {strides = array<i32>} : memref<128x128xf32, #tpu.memory_space<vmem>>, vector<1x16xf32>,
        %add3A_479 = arith.constant 6 : i32
        %add3A_480 = vector.broadcast %add3A_479 : i32 to vector<16xi32>
        %add3A_481 = arith.addi %shift_right_arithmetic3A_9, %add3A_480 : vector<16xi32>
        %broadcast_in_dim3A_482 = vector.shape_cast %add3A_481 : vector<16xi32> to vector<16x1xi32>
        %gather3A_483 = vector.shape_cast %broadcast_in_dim3A_482 : vector<16x1xi32> to vector<16xi32>
        %gather3A_484 = tpu.dynamic_gather %get3A_424[%gather3A_483] in [0] : vector<16xi32>, vector<16xi32> -> vector<16xi32>
        %shift_right_logical3A_485 = arith.shrui %gather3A_484, %add3A_27 : vector<16xi32>
        %and3A_486 = arith.constant 15 : i32
        %and3A_487 = vector.broadcast %and3A_486 : i32 to vector<16xi32>
        %and3A_488 = arith.andi %shift_right_logical3A_485, %and3A_487 : vector<16xi32>
        %broadcast_in_dim3A_489 = vector.shape_cast %and3A_488 : vector<16xi32> to vector<16x1xi32>
        %gather3A_490 = vector.shape_cast %broadcast_in_dim3A_489 : vector<16x1xi32> to vector<16xi32>
        %gather3A_491 = tpu.dynamic_gather %div3A[%gather3A_490] in [0] : vector<16xf32>, vector<16xi32> -> vector<16xf32>
        %swap3A_492 = arith.index_cast %scan3A_420 : i32 to index
        %swap3A_493 = arith.constant 48 : index
        %swap3A_494 = tpu.vector_load %arg9[%swap3A_492, %swap3A_493] {strides = array<i32>} : memref<128x128xf32, #tpu.memory_space<vmem>>, vector<1x16xf32>,
        %swap3A_495 = vector.shape_cast %swap3A_494 : vector<1x16xf32> to vector<16xf32>
        %swap3A_496 = vector.shape_cast %gather3A_491 : vector<16xf32> to vector<1x16xf32>
        tpu.vector_store %arg9[%swap3A_492, %swap3A_493], %swap3A_496 {strides = array<i32>} : memref<128x128xf32, #tpu.memory_space<vmem>>, vector<1x16xf32>,
        %add3A_497 = arith.constant 8 : i32
        %add3A_498 = vector.broadcast %add3A_497 : i32 to vector<16xi32>
        %add3A_499 = arith.addi %shift_right_arithmetic3A_9, %add3A_498 : vector<16xi32>
        %broadcast_in_dim3A_500 = vector.shape_cast %add3A_499 : vector<16xi32> to vector<16x1xi32>
        %gather3A_501 = vector.shape_cast %broadcast_in_dim3A_500 : vector<16x1xi32> to vector<16xi32>
        %gather3A_502 = tpu.dynamic_gather %get3A_424[%gather3A_501] in [0] : vector<16xi32>, vector<16xi32> -> vector<16xi32>
        %shift_right_logical3A_503 = arith.shrui %gather3A_502, %add3A_27 : vector<16xi32>
        %and3A_504 = arith.constant 15 : i32
        %and3A_505 = vector.broadcast %and3A_504 : i32 to vector<16xi32>
        %and3A_506 = arith.andi %shift_right_logical3A_503, %and3A_505 : vector<16xi32>
        %broadcast_in_dim3A_507 = vector.shape_cast %and3A_506 : vector<16xi32> to vector<16x1xi32>
        %gather3A_508 = vector.shape_cast %broadcast_in_dim3A_507 : vector<16x1xi32> to vector<16xi32>
        %gather3A_509 = tpu.dynamic_gather %div3A[%gather3A_508] in [0] : vector<16xf32>, vector<16xi32> -> vector<16xf32>
        %swap3A_510 = arith.index_cast %scan3A_420 : i32 to index
        %swap3A_511 = arith.constant 64 : index
        %swap3A_512 = tpu.vector_load %arg9[%swap3A_510, %swap3A_511] {strides = array<i32>} : memref<128x128xf32, #tpu.memory_space<vmem>>, vector<1x16xf32>,
        %swap3A_513 = vector.shape_cast %swap3A_512 : vector<1x16xf32> to vector<16xf32>
        %swap3A_514 = vector.shape_cast %gather3A_509 : vector<16xf32> to vector<1x16xf32>
        tpu.vector_store %arg9[%swap3A_510, %swap3A_511], %swap3A_514 {strides = array<i32>} : memref<128x128xf32, #tpu.memory_space<vmem>>, vector<1x16xf32>,
        %add3A_515 = arith.constant 10 : i32
        %add3A_516 = vector.broadcast %add3A_515 : i32 to vector<16xi32>
        %add3A_517 = arith.addi %shift_right_arithmetic3A_9, %add3A_516 : vector<16xi32>
        %broadcast_in_dim3A_518 = vector.shape_cast %add3A_517 : vector<16xi32> to vector<16x1xi32>
        %gather3A_519 = vector.shape_cast %broadcast_in_dim3A_518 : vector<16x1xi32> to vector<16xi32>
        %gather3A_520 = tpu.dynamic_gather %get3A_424[%gather3A_519] in [0] : vector<16xi32>, vector<16xi32> -> vector<16xi32>
        %shift_right_logical3A_521 = arith.shrui %gather3A_520, %add3A_27 : vector<16xi32>
        %and3A_522 = arith.constant 15 : i32
        %and3A_523 = vector.broadcast %and3A_522 : i32 to vector<16xi32>
        %and3A_524 = arith.andi %shift_right_logical3A_521, %and3A_523 : vector<16xi32>
        %broadcast_in_dim3A_525 = vector.shape_cast %and3A_524 : vector<16xi32> to vector<16x1xi32>
        %gather3A_526 = vector.shape_cast %broadcast_in_dim3A_525 : vector<16x1xi32> to vector<16xi32>
        %gather3A_527 = tpu.dynamic_gather %div3A[%gather3A_526] in [0] : vector<16xf32>, vector<16xi32> -> vector<16xf32>
        %swap3A_528 = arith.index_cast %scan3A_420 : i32 to index
        %swap3A_529 = arith.constant 80 : index
        %swap3A_530 = tpu.vector_load %arg9[%swap3A_528, %swap3A_529] {strides = array<i32>} : memref<128x128xf32, #tpu.memory_space<vmem>>, vector<1x16xf32>,
        %swap3A_531 = vector.shape_cast %swap3A_530 : vector<1x16xf32> to vector<16xf32>
        %swap3A_532 = vector.shape_cast %gather3A_527 : vector<16xf32> to vector<1x16xf32>
        tpu.vector_store %arg9[%swap3A_528, %swap3A_529], %swap3A_532 {strides = array<i32>} : memref<128x128xf32, #tpu.memory_space<vmem>>, vector<1x16xf32>,
        %add3A_533 = arith.constant 12 : i32
        %add3A_534 = vector.broadcast %add3A_533 : i32 to vector<16xi32>
        %add3A_535 = arith.addi %shift_right_arithmetic3A_9, %add3A_534 : vector<16xi32>
        %broadcast_in_dim3A_536 = vector.shape_cast %add3A_535 : vector<16xi32> to vector<16x1xi32>
        %gather3A_537 = vector.shape_cast %broadcast_in_dim3A_536 : vector<16x1xi32> to vector<16xi32>
        %gather3A_538 = tpu.dynamic_gather %get3A_424[%gather3A_537] in [0] : vector<16xi32>, vector<16xi32> -> vector<16xi32>
        %shift_right_logical3A_539 = arith.shrui %gather3A_538, %add3A_27 : vector<16xi32>
        %and3A_540 = arith.constant 15 : i32
        %and3A_541 = vector.broadcast %and3A_540 : i32 to vector<16xi32>
        %and3A_542 = arith.andi %shift_right_logical3A_539, %and3A_541 : vector<16xi32>
        %broadcast_in_dim3A_543 = vector.shape_cast %and3A_542 : vector<16xi32> to vector<16x1xi32>
        %gather3A_544 = vector.shape_cast %broadcast_in_dim3A_543 : vector<16x1xi32> to vector<16xi32>
        %gather3A_545 = tpu.dynamic_gather %div3A[%gather3A_544] in [0] : vector<16xf32>, vector<16xi32> -> vector<16xf32>
        %swap3A_546 = arith.index_cast %scan3A_420 : i32 to index
        %swap3A_547 = arith.constant 96 : index
        %swap3A_548 = tpu.vector_load %arg9[%swap3A_546, %swap3A_547] {strides = array<i32>} : memref<128x128xf32, #tpu.memory_space<vmem>>, vector<1x16xf32>,
        %swap3A_549 = vector.shape_cast %swap3A_548 : vector<1x16xf32> to vector<16xf32>
        %swap3A_550 = vector.shape_cast %gather3A_545 : vector<16xf32> to vector<1x16xf32>
        tpu.vector_store %arg9[%swap3A_546, %swap3A_547], %swap3A_550 {strides = array<i32>} : memref<128x128xf32, #tpu.memory_space<vmem>>, vector<1x16xf32>,
        %add3A_551 = arith.constant 14 : i32
        %add3A_552 = vector.broadcast %add3A_551 : i32 to vector<16xi32>
        %add3A_553 = arith.addi %shift_right_arithmetic3A_9, %add3A_552 : vector<16xi32>
        %broadcast_in_dim3A_554 = vector.shape_cast %add3A_553 : vector<16xi32> to vector<16x1xi32>
        %gather3A_555 = vector.shape_cast %broadcast_in_dim3A_554 : vector<16x1xi32> to vector<16xi32>
        %gather3A_556 = tpu.dynamic_gather %get3A_424[%gather3A_555] in [0] : vector<16xi32>, vector<16xi32> -> vector<16xi32>
        %shift_right_logical3A_557 = arith.shrui %gather3A_556, %add3A_27 : vector<16xi32>
        %and3A_558 = arith.constant 15 : i32
        %and3A_559 = vector.broadcast %and3A_558 : i32 to vector<16xi32>
        %and3A_560 = arith.andi %shift_right_logical3A_557, %and3A_559 : vector<16xi32>
        %broadcast_in_dim3A_561 = vector.shape_cast %and3A_560 : vector<16xi32> to vector<16x1xi32>
        %gather3A_562 = vector.shape_cast %broadcast_in_dim3A_561 : vector<16x1xi32> to vector<16xi32>
        %gather3A_563 = tpu.dynamic_gather %div3A[%gather3A_562] in [0] : vector<16xf32>, vector<16xi32> -> vector<16xf32>
        %swap3A_564 = arith.index_cast %scan3A_420 : i32 to index
        %swap3A_565 = arith.constant 112 : index
        %swap3A_566 = tpu.vector_load %arg9[%swap3A_564, %swap3A_565] {strides = array<i32>} : memref<128x128xf32, #tpu.memory_space<vmem>>, vector<1x16xf32>,
        %swap3A_567 = vector.shape_cast %swap3A_566 : vector<1x16xf32> to vector<16xf32>
        %swap3A_568 = vector.shape_cast %gather3A_563 : vector<16xf32> to vector<1x16xf32>
        tpu.vector_store %arg9[%swap3A_564, %swap3A_565], %swap3A_568 {strides = array<i32>} : memref<128x128xf32, #tpu.memory_space<vmem>>, vector<1x16xf32>,
        %scan3A_569 = arith.constant 0 : i32
        %scan3A_570 = arith.constant 3 : i32
        %scan3A_571 = arith.addi %scan3A_121, %scan3A_570 : i32
        %get3A_572 = arith.index_cast %scan3A_571 : i32 to index
        %get3A_573 = arith.constant 0 : index
        %get3A_574 = tpu.vector_load %arg7[%get3A_572, %get3A_573] {strides = array<i32>} : memref<128x16xi32, #tpu.memory_space<vmem>>, vector<1x16xi32>,
        %get3A_575 = vector.shape_cast %get3A_574 : vector<1x16xi32> to vector<16xi32>
        %add3A_576 = arith.constant 0 : i32
        %add3A_577 = vector.broadcast %add3A_576 : i32 to vector<16xi32>
        %add3A_578 = arith.addi %shift_right_arithmetic3A_9, %add3A_577 : vector<16xi32>
        %broadcast_in_dim3A_579 = vector.shape_cast %add3A_578 : vector<16xi32> to vector<16x1xi32>
        %gather3A_580 = vector.shape_cast %broadcast_in_dim3A_579 : vector<16x1xi32> to vector<16xi32>
        %gather3A_581 = tpu.dynamic_gather %get3A_575[%gather3A_580] in [0] : vector<16xi32>, vector<16xi32> -> vector<16xi32>
        %shift_right_logical3A_582 = arith.shrui %gather3A_581, %add3A_27 : vector<16xi32>
        %and3A_583 = arith.constant 15 : i32
        %and3A_584 = vector.broadcast %and3A_583 : i32 to vector<16xi32>
        %and3A_585 = arith.andi %shift_right_logical3A_582, %and3A_584 : vector<16xi32>
        %broadcast_in_dim3A_586 = vector.shape_cast %and3A_585 : vector<16xi32> to vector<16x1xi32>
        %gather3A_587 = vector.shape_cast %broadcast_in_dim3A_586 : vector<16x1xi32> to vector<16xi32>
        %gather3A_588 = tpu.dynamic_gather %div3A[%gather3A_587] in [0] : vector<16xf32>, vector<16xi32> -> vector<16xf32>
        %swap3A_589 = arith.index_cast %scan3A_571 : i32 to index
        %swap3A_590 = arith.constant 0 : index
        %swap3A_591 = tpu.vector_load %arg9[%swap3A_589, %swap3A_590] {strides = array<i32>} : memref<128x128xf32, #tpu.memory_space<vmem>>, vector<1x16xf32>,
        %swap3A_592 = vector.shape_cast %swap3A_591 : vector<1x16xf32> to vector<16xf32>
        %swap3A_593 = vector.shape_cast %gather3A_588 : vector<16xf32> to vector<1x16xf32>
        tpu.vector_store %arg9[%swap3A_589, %swap3A_590], %swap3A_593 {strides = array<i32>} : memref<128x128xf32, #tpu.memory_space<vmem>>, vector<1x16xf32>,
        %add3A_594 = arith.constant 2 : i32
        %add3A_595 = vector.broadcast %add3A_594 : i32 to vector<16xi32>
        %add3A_596 = arith.addi %shift_right_arithmetic3A_9, %add3A_595 : vector<16xi32>
        %broadcast_in_dim3A_597 = vector.shape_cast %add3A_596 : vector<16xi32> to vector<16x1xi32>
        %gather3A_598 = vector.shape_cast %broadcast_in_dim3A_597 : vector<16x1xi32> to vector<16xi32>
        %gather3A_599 = tpu.dynamic_gather %get3A_575[%gather3A_598] in [0] : vector<16xi32>, vector<16xi32> -> vector<16xi32>
        %shift_right_logical3A_600 = arith.shrui %gather3A_599, %add3A_27 : vector<16xi32>
        %and3A_601 = arith.constant 15 : i32
        %and3A_602 = vector.broadcast %and3A_601 : i32 to vector<16xi32>
        %and3A_603 = arith.andi %shift_right_logical3A_600, %and3A_602 : vector<16xi32>
        %broadcast_in_dim3A_604 = vector.shape_cast %and3A_603 : vector<16xi32> to vector<16x1xi32>
        %gather3A_605 = vector.shape_cast %broadcast_in_dim3A_604 : vector<16x1xi32> to vector<16xi32>
        %gather3A_606 = tpu.dynamic_gather %div3A[%gather3A_605] in [0] : vector<16xf32>, vector<16xi32> -> vector<16xf32>
        %swap3A_607 = arith.index_cast %scan3A_571 : i32 to index
        %swap3A_608 = arith.constant 16 : index
        %swap3A_609 = tpu.vector_load %arg9[%swap3A_607, %swap3A_608] {strides = array<i32>} : memref<128x128xf32, #tpu.memory_space<vmem>>, vector<1x16xf32>,
        %swap3A_610 = vector.shape_cast %swap3A_609 : vector<1x16xf32> to vector<16xf32>
        %swap3A_611 = vector.shape_cast %gather3A_606 : vector<16xf32> to vector<1x16xf32>
        tpu.vector_store %arg9[%swap3A_607, %swap3A_608], %swap3A_611 {strides = array<i32>} : memref<128x128xf32, #tpu.memory_space<vmem>>, vector<1x16xf32>,
        %add3A_612 = arith.constant 4 : i32
        %add3A_613 = vector.broadcast %add3A_612 : i32 to vector<16xi32>
        %add3A_614 = arith.addi %shift_right_arithmetic3A_9, %add3A_613 : vector<16xi32>
        %broadcast_in_dim3A_615 = vector.shape_cast %add3A_614 : vector<16xi32> to vector<16x1xi32>
        %gather3A_616 = vector.shape_cast %broadcast_in_dim3A_615 : vector<16x1xi32> to vector<16xi32>
        %gather3A_617 = tpu.dynamic_gather %get3A_575[%gather3A_616] in [0] : vector<16xi32>, vector<16xi32> -> vector<16xi32>
        %shift_right_logical3A_618 = arith.shrui %gather3A_617, %add3A_27 : vector<16xi32>
        %and3A_619 = arith.constant 15 : i32
        %and3A_620 = vector.broadcast %and3A_619 : i32 to vector<16xi32>
        %and3A_621 = arith.andi %shift_right_logical3A_618, %and3A_620 : vector<16xi32>
        %broadcast_in_dim3A_622 = vector.shape_cast %and3A_621 : vector<16xi32> to vector<16x1xi32>
        %gather3A_623 = vector.shape_cast %broadcast_in_dim3A_622 : vector<16x1xi32> to vector<16xi32>
        %gather3A_624 = tpu.dynamic_gather %div3A[%gather3A_623] in [0] : vector<16xf32>, vector<16xi32> -> vector<16xf32>
        %swap3A_625 = arith.index_cast %scan3A_571 : i32 to index
        %swap3A_626 = arith.constant 32 : index
        %swap3A_627 = tpu.vector_load %arg9[%swap3A_625, %swap3A_626] {strides = array<i32>} : memref<128x128xf32, #tpu.memory_space<vmem>>, vector<1x16xf32>,
        %swap3A_628 = vector.shape_cast %swap3A_627 : vector<1x16xf32> to vector<16xf32>
        %swap3A_629 = vector.shape_cast %gather3A_624 : vector<16xf32> to vector<1x16xf32>
        tpu.vector_store %arg9[%swap3A_625, %swap3A_626], %swap3A_629 {strides = array<i32>} : memref<128x128xf32, #tpu.memory_space<vmem>>, vector<1x16xf32>,
        %add3A_630 = arith.constant 6 : i32
        %add3A_631 = vector.broadcast %add3A_630 : i32 to vector<16xi32>
        %add3A_632 = arith.addi %shift_right_arithmetic3A_9, %add3A_631 : vector<16xi32>
        %broadcast_in_dim3A_633 = vector.shape_cast %add3A_632 : vector<16xi32> to vector<16x1xi32>
        %gather3A_634 = vector.shape_cast %broadcast_in_dim3A_633 : vector<16x1xi32> to vector<16xi32>
        %gather3A_635 = tpu.dynamic_gather %get3A_575[%gather3A_634] in [0] : vector<16xi32>, vector<16xi32> -> vector<16xi32>
        %shift_right_logical3A_636 = arith.shrui %gather3A_635, %add3A_27 : vector<16xi32>
        %and3A_637 = arith.constant 15 : i32
        %and3A_638 = vector.broadcast %and3A_637 : i32 to vector<16xi32>
        %and3A_639 = arith.andi %shift_right_logical3A_636, %and3A_638 : vector<16xi32>
        %broadcast_in_dim3A_640 = vector.shape_cast %and3A_639 : vector<16xi32> to vector<16x1xi32>
        %gather3A_641 = vector.shape_cast %broadcast_in_dim3A_640 : vector<16x1xi32> to vector<16xi32>
        %gather3A_642 = tpu.dynamic_gather %div3A[%gather3A_641] in [0] : vector<16xf32>, vector<16xi32> -> vector<16xf32>
        %swap3A_643 = arith.index_cast %scan3A_571 : i32 to index
        %swap3A_644 = arith.constant 48 : index
        %swap3A_645 = tpu.vector_load %arg9[%swap3A_643, %swap3A_644] {strides = array<i32>} : memref<128x128xf32, #tpu.memory_space<vmem>>, vector<1x16xf32>,
        %swap3A_646 = vector.shape_cast %swap3A_645 : vector<1x16xf32> to vector<16xf32>
        %swap3A_647 = vector.shape_cast %gather3A_642 : vector<16xf32> to vector<1x16xf32>
        tpu.vector_store %arg9[%swap3A_643, %swap3A_644], %swap3A_647 {strides = array<i32>} : memref<128x128xf32, #tpu.memory_space<vmem>>, vector<1x16xf32>,
        %add3A_648 = arith.constant 8 : i32
        %add3A_649 = vector.broadcast %add3A_648 : i32 to vector<16xi32>
        %add3A_650 = arith.addi %shift_right_arithmetic3A_9, %add3A_649 : vector<16xi32>
        %broadcast_in_dim3A_651 = vector.shape_cast %add3A_650 : vector<16xi32> to vector<16x1xi32>
        %gather3A_652 = vector.shape_cast %broadcast_in_dim3A_651 : vector<16x1xi32> to vector<16xi32>
        %gather3A_653 = tpu.dynamic_gather %get3A_575[%gather3A_652] in [0] : vector<16xi32>, vector<16xi32> -> vector<16xi32>
        %shift_right_logical3A_654 = arith.shrui %gather3A_653, %add3A_27 : vector<16xi32>
        %and3A_655 = arith.constant 15 : i32
        %and3A_656 = vector.broadcast %and3A_655 : i32 to vector<16xi32>
        %and3A_657 = arith.andi %shift_right_logical3A_654, %and3A_656 : vector<16xi32>
        %broadcast_in_dim3A_658 = vector.shape_cast %and3A_657 : vector<16xi32> to vector<16x1xi32>
        %gather3A_659 = vector.shape_cast %broadcast_in_dim3A_658 : vector<16x1xi32> to vector<16xi32>
        %gather3A_660 = tpu.dynamic_gather %div3A[%gather3A_659] in [0] : vector<16xf32>, vector<16xi32> -> vector<16xf32>
        %swap3A_661 = arith.index_cast %scan3A_571 : i32 to index
        %swap3A_662 = arith.constant 64 : index
        %swap3A_663 = tpu.vector_load %arg9[%swap3A_661, %swap3A_662] {strides = array<i32>} : memref<128x128xf32, #tpu.memory_space<vmem>>, vector<1x16xf32>,
        %swap3A_664 = vector.shape_cast %swap3A_663 : vector<1x16xf32> to vector<16xf32>
        %swap3A_665 = vector.shape_cast %gather3A_660 : vector<16xf32> to vector<1x16xf32>
        tpu.vector_store %arg9[%swap3A_661, %swap3A_662], %swap3A_665 {strides = array<i32>} : memref<128x128xf32, #tpu.memory_space<vmem>>, vector<1x16xf32>,
        %add3A_666 = arith.constant 10 : i32
        %add3A_667 = vector.broadcast %add3A_666 : i32 to vector<16xi32>
        %add3A_668 = arith.addi %shift_right_arithmetic3A_9, %add3A_667 : vector<16xi32>
        %broadcast_in_dim3A_669 = vector.shape_cast %add3A_668 : vector<16xi32> to vector<16x1xi32>
        %gather3A_670 = vector.shape_cast %broadcast_in_dim3A_669 : vector<16x1xi32> to vector<16xi32>
        %gather3A_671 = tpu.dynamic_gather %get3A_575[%gather3A_670] in [0] : vector<16xi32>, vector<16xi32> -> vector<16xi32>
        %shift_right_logical3A_672 = arith.shrui %gather3A_671, %add3A_27 : vector<16xi32>
        %and3A_673 = arith.constant 15 : i32
        %and3A_674 = vector.broadcast %and3A_673 : i32 to vector<16xi32>
        %and3A_675 = arith.andi %shift_right_logical3A_672, %and3A_674 : vector<16xi32>
        %broadcast_in_dim3A_676 = vector.shape_cast %and3A_675 : vector<16xi32> to vector<16x1xi32>
        %gather3A_677 = vector.shape_cast %broadcast_in_dim3A_676 : vector<16x1xi32> to vector<16xi32>
        %gather3A_678 = tpu.dynamic_gather %div3A[%gather3A_677] in [0] : vector<16xf32>, vector<16xi32> -> vector<16xf32>
        %swap3A_679 = arith.index_cast %scan3A_571 : i32 to index
        %swap3A_680 = arith.constant 80 : index
        %swap3A_681 = tpu.vector_load %arg9[%swap3A_679, %swap3A_680] {strides = array<i32>} : memref<128x128xf32, #tpu.memory_space<vmem>>, vector<1x16xf32>,
        %swap3A_682 = vector.shape_cast %swap3A_681 : vector<1x16xf32> to vector<16xf32>
        %swap3A_683 = vector.shape_cast %gather3A_678 : vector<16xf32> to vector<1x16xf32>
        tpu.vector_store %arg9[%swap3A_679, %swap3A_680], %swap3A_683 {strides = array<i32>} : memref<128x128xf32, #tpu.memory_space<vmem>>, vector<1x16xf32>,
        %add3A_684 = arith.constant 12 : i32
        %add3A_685 = vector.broadcast %add3A_684 : i32 to vector<16xi32>
        %add3A_686 = arith.addi %shift_right_arithmetic3A_9, %add3A_685 : vector<16xi32>
        %broadcast_in_dim3A_687 = vector.shape_cast %add3A_686 : vector<16xi32> to vector<16x1xi32>
        %gather3A_688 = vector.shape_cast %broadcast_in_dim3A_687 : vector<16x1xi32> to vector<16xi32>
        %gather3A_689 = tpu.dynamic_gather %get3A_575[%gather3A_688] in [0] : vector<16xi32>, vector<16xi32> -> vector<16xi32>
        %shift_right_logical3A_690 = arith.shrui %gather3A_689, %add3A_27 : vector<16xi32>
        %and3A_691 = arith.constant 15 : i32
        %and3A_692 = vector.broadcast %and3A_691 : i32 to vector<16xi32>
        %and3A_693 = arith.andi %shift_right_logical3A_690, %and3A_692 : vector<16xi32>
        %broadcast_in_dim3A_694 = vector.shape_cast %and3A_693 : vector<16xi32> to vector<16x1xi32>
        %gather3A_695 = vector.shape_cast %broadcast_in_dim3A_694 : vector<16x1xi32> to vector<16xi32>
        %gather3A_696 = tpu.dynamic_gather %div3A[%gather3A_695] in [0] : vector<16xf32>, vector<16xi32> -> vector<16xf32>
        %swap3A_697 = arith.index_cast %scan3A_571 : i32 to index
        %swap3A_698 = arith.constant 96 : index
        %swap3A_699 = tpu.vector_load %arg9[%swap3A_697, %swap3A_698] {strides = array<i32>} : memref<128x128xf32, #tpu.memory_space<vmem>>, vector<1x16xf32>,
        %swap3A_700 = vector.shape_cast %swap3A_699 : vector<1x16xf32> to vector<16xf32>
        %swap3A_701 = vector.shape_cast %gather3A_696 : vector<16xf32> to vector<1x16xf32>
        tpu.vector_store %arg9[%swap3A_697, %swap3A_698], %swap3A_701 {strides = array<i32>} : memref<128x128xf32, #tpu.memory_space<vmem>>, vector<1x16xf32>,
        %add3A_702 = arith.constant 14 : i32
        %add3A_703 = vector.broadcast %add3A_702 : i32 to vector<16xi32>
        %add3A_704 = arith.addi %shift_right_arithmetic3A_9, %add3A_703 : vector<16xi32>
        %broadcast_in_dim3A_705 = vector.shape_cast %add3A_704 : vector<16xi32> to vector<16x1xi32>
        %gather3A_706 = vector.shape_cast %broadcast_in_dim3A_705 : vector<16x1xi32> to vector<16xi32>
        %gather3A_707 = tpu.dynamic_gather %get3A_575[%gather3A_706] in [0] : vector<16xi32>, vector<16xi32> -> vector<16xi32>
        %shift_right_logical3A_708 = arith.shrui %gather3A_707, %add3A_27 : vector<16xi32>
        %and3A_709 = arith.constant 15 : i32
        %and3A_710 = vector.broadcast %and3A_709 : i32 to vector<16xi32>
        %and3A_711 = arith.andi %shift_right_logical3A_708, %and3A_710 : vector<16xi32>
        %broadcast_in_dim3A_712 = vector.shape_cast %and3A_711 : vector<16xi32> to vector<16x1xi32>
        %gather3A_713 = vector.shape_cast %broadcast_in_dim3A_712 : vector<16x1xi32> to vector<16xi32>
        %gather3A_714 = tpu.dynamic_gather %div3A[%gather3A_713] in [0] : vector<16xf32>, vector<16xi32> -> vector<16xf32>
        %swap3A_715 = arith.index_cast %scan3A_571 : i32 to index
        %swap3A_716 = arith.constant 112 : index
        %swap3A_717 = tpu.vector_load %arg9[%swap3A_715, %swap3A_716] {strides = array<i32>} : memref<128x128xf32, #tpu.memory_space<vmem>>, vector<1x16xf32>,
        %swap3A_718 = vector.shape_cast %swap3A_717 : vector<1x16xf32> to vector<16xf32>
        %swap3A_719 = vector.shape_cast %gather3A_714 : vector<16xf32> to vector<1x16xf32>
        tpu.vector_store %arg9[%swap3A_715, %swap3A_716], %swap3A_719 {strides = array<i32>} : memref<128x128xf32, #tpu.memory_space<vmem>>, vector<1x16xf32>,
        %scan3A_720 = arith.constant 0 : i32
        scf.yield %scan3A_720 : i32
      }
      %scan3A_76 = arith.constant 128 : i32
      %mul3A_77 = arith.constant 128 : i32
      %mul3A_78 = arith.muli %add3A_54, %mul3A_77 : i32
      %add3A_79 = arith.addi %mul3A_2, %mul3A_78 : i32
      %dma_start3A_80 = arith.constant 0 : i32
      %dma_start3A_81 = tpu.memref_slice %arg5[%add3A_79, %dma_start3A_80] : memref<425984x128xf32, #tpu.memory_space<hbm>> -> memref<128x128xf32, #tpu.memory_space<hbm>>
      %dma_start3A_82 = arith.constant 0 : i32
      %dma_start3A_83 = tpu.memref_slice %arg5[%add3A_79, %dma_start3A_82] : memref<425984x128xf32, #tpu.memory_space<hbm>> -> memref<128x128xf32, #tpu.memory_space<hbm>>
      tpu.enqueue_dma source(%arg9 : memref<128x128xf32, #tpu.memory_space<vmem>>) target(%dma_start3A_83 : memref<128x128xf32, #tpu.memory_space<hbm>>) target_semaphore(%arg14 : memref<!tpu.dma_semaphore, #tpu.memory_space<semaphore_mem>>)
      %mul3A_84 = arith.constant 2 : i32
      %mul3A_85 = arith.muli %mul3A_84, %scan3A_49 : i32
      %add3A_86 = arith.constant 1 : i32
      %add3A_87 = arith.addi %mul3A_85, %add3A_86 : i32
      %add3A_88 = arith.constant 1 : i32
      %add3A_89 = arith.addi %add3A_87, %add3A_88 : i32
      %lt3A_90 = arith.constant 104 : i32
      %lt3A_91 = arith.cmpi slt, %add3A_89, %lt3A_90 : i32
      %convert_element_type3A_92 = arith.extui %lt3A_91 : i1 to i32
      %cond3A_93 = arith.constant 0 : i32
      %cond3A_94 = arith.cmpi ne, %convert_element_type3A_92, %cond3A_93 : i32
      scf.if %cond3A_94 {
        %mul3A_121 = arith.constant 128 : i32
        %mul3A_122 = arith.muli %add3A_89, %mul3A_121 : i32
        %dma_start3A_123 = tpu.memref_slice %arg6[%mul3A_122] : memref<13312xi32, #tpu.memory_space<vmem>> -> memref<128xi32, #tpu.memory_space<vmem>>
        %dma_start3A_124 = arith.constant 0 : i32
        %dma_start3A_125 = arith.constant 0 : i32
        %dma_start3A_126 = tpu.memref_slice %arg2[%dma_start3A_124, %dma_start3A_125] : memref<100000x16xi32, #tpu.memory_space<hbm>> -> memref<100000x16xi32, #tpu.memory_space<hbm>>
        tpu.enqueue_indirect_dma source(%dma_start3A_126 : memref<100000x16xi32, #tpu.memory_space<hbm>>) target(%arg7 : memref<128x16xi32, #tpu.memory_space<vmem>>) offsets(%dma_start3A_123 : memref<128xi32, #tpu.memory_space<vmem>>) semaphore(%arg12 : memref<!tpu.dma_semaphore, #tpu.memory_space<semaphore_mem>>)
      } else {
      }
      %dma_wait3A_95 = arith.constant 0 : i32
      %dma_wait3A_96 = arith.constant 0 : i32
      %dma_wait3A_97 = tpu.memref_slice %arg2[%dma_wait3A_95, %dma_wait3A_96] : memref<100000x16xi32, #tpu.memory_space<hbm>> -> memref<128x16xi32, #tpu.memory_space<hbm>>
      %dma_wait3A_98 = arith.constant 0 : i32
      %dma_wait3A_99 = arith.constant 0 : i32
      %dma_wait3A_100 = tpu.memref_slice %arg2[%dma_wait3A_98, %dma_wait3A_99] : memref<100000x16xi32, #tpu.memory_space<hbm>> -> memref<128x16xi32, #tpu.memory_space<hbm>>
      tpu.wait_dma2 semaphore(%arg13 : memref<!tpu.dma_semaphore, #tpu.memory_space<semaphore_mem>>) src(%dma_wait3A_100 : memref<128x16xi32, #tpu.memory_space<hbm>>) dst(%arg8 : memref<128x16xi32, #tpu.memory_space<vmem>>)
      %ge3A_101 = arith.constant 2 : i32
      %ge3A_102 = arith.cmpi sge, %add3A_87, %ge3A_101 : i32
      %convert_element_type3A_103 = arith.extui %ge3A_102 : i1 to i32
      %cond3A_104 = arith.constant 0 : i32
      %cond3A_105 = arith.cmpi ne, %convert_element_type3A_103, %cond3A_104 : i32
      scf.if %cond3A_105 {
        %dma_wait3A_121 = arith.constant 0 : i32
        %dma_wait3A_122 = arith.constant 0 : i32
        %dma_wait3A_123 = tpu.memref_slice %arg5[%dma_wait3A_121, %dma_wait3A_122] : memref<425984x128xf32, #tpu.memory_space<hbm>> -> memref<128x128xf32, #tpu.memory_space<hbm>>
        %dma_wait3A_124 = arith.constant 0 : i32
        %dma_wait3A_125 = arith.constant 0 : i32
        %dma_wait3A_126 = tpu.memref_slice %arg5[%dma_wait3A_124, %dma_wait3A_125] : memref<425984x128xf32, #tpu.memory_space<hbm>> -> memref<128x128xf32, #tpu.memory_space<hbm>>
        tpu.wait_dma2 semaphore(%arg15 : memref<!tpu.dma_semaphore, #tpu.memory_space<semaphore_mem>>) src(%arg10 : memref<128x128xf32, #tpu.memory_space<vmem>>) dst(%dma_wait3A_126 : memref<128x128xf32, #tpu.memory_space<hbm>>)
      } else {
      }
      %scan3A_106 = arith.constant 0 : i32
      %scan3A_107 = arith.constant 0 : i32
      %scan3A_108 = arith.constant 128 : i32
      %scan3A_109 = arith.addi %scan3A_107, %scan3A_108 : i32
      %scan3A_110 = arith.constant 4 : i32
      %scan3A_111 = scf.for %scan3A_121 = %scan3A_107 to %scan3A_109 step %scan3A_110 iter_args(%scan3A_122 = %scan3A_106) -> (i32)  : i32 {
        %get3A_123 = arith.index_cast %scan3A_121 : i32 to index
        %get3A_124 = arith.constant 0 : index
        %get3A_125 = tpu.vector_load %arg8[%get3A_123, %get3A_124] {strides = array<i32>} : memref<128x16xi32, #tpu.memory_space<vmem>>, vector<1x16xi32>,
        %get3A_126 = vector.shape_cast %get3A_125 : vector<1x16xi32> to vector<16xi32>
        %add3A_127 = arith.constant 0 : i32
        %add3A_128 = vector.broadcast %add3A_127 : i32 to vector<16xi32>
        %add3A_129 = arith.addi %shift_right_arithmetic3A_9, %add3A_128 : vector<16xi32>
        %broadcast_in_dim3A = vector.shape_cast %add3A_129 : vector<16xi32> to vector<16x1xi32>
        %gather3A = vector.shape_cast %broadcast_in_dim3A : vector<16x1xi32> to vector<16xi32>
        %gather3A_130 = tpu.dynamic_gather %get3A_126[%gather3A] in [0] : vector<16xi32>, vector<16xi32> -> vector<16xi32>
        %shift_right_logical3A = arith.shrui %gather3A_130, %add3A_27 : vector<16xi32>
        %and3A_131 = arith.constant 15 : i32
        %and3A_132 = vector.broadcast %and3A_131 : i32 to vector<16xi32>
        %and3A_133 = arith.andi %shift_right_logical3A, %and3A_132 : vector<16xi32>
        %broadcast_in_dim3A_134 = vector.shape_cast %and3A_133 : vector<16xi32> to vector<16x1xi32>
        %gather3A_135 = vector.shape_cast %broadcast_in_dim3A_134 : vector<16x1xi32> to vector<16xi32>
        %gather3A_136 = tpu.dynamic_gather %div3A[%gather3A_135] in [0] : vector<16xf32>, vector<16xi32> -> vector<16xf32>
        %swap3A = arith.index_cast %scan3A_121 : i32 to index
        %swap3A_137 = arith.constant 0 : index
        %swap3A_138 = tpu.vector_load %arg10[%swap3A, %swap3A_137] {strides = array<i32>} : memref<128x128xf32, #tpu.memory_space<vmem>>, vector<1x16xf32>,
        %swap3A_139 = vector.shape_cast %swap3A_138 : vector<1x16xf32> to vector<16xf32>
        %swap3A_140 = vector.shape_cast %gather3A_136 : vector<16xf32> to vector<1x16xf32>
        tpu.vector_store %arg10[%swap3A, %swap3A_137], %swap3A_140 {strides = array<i32>} : memref<128x128xf32, #tpu.memory_space<vmem>>, vector<1x16xf32>,
        %add3A_141 = arith.constant 2 : i32
        %add3A_142 = vector.broadcast %add3A_141 : i32 to vector<16xi32>
        %add3A_143 = arith.addi %shift_right_arithmetic3A_9, %add3A_142 : vector<16xi32>
        %broadcast_in_dim3A_144 = vector.shape_cast %add3A_143 : vector<16xi32> to vector<16x1xi32>
        %gather3A_145 = vector.shape_cast %broadcast_in_dim3A_144 : vector<16x1xi32> to vector<16xi32>
        %gather3A_146 = tpu.dynamic_gather %get3A_126[%gather3A_145] in [0] : vector<16xi32>, vector<16xi32> -> vector<16xi32>
        %shift_right_logical3A_147 = arith.shrui %gather3A_146, %add3A_27 : vector<16xi32>
        %and3A_148 = arith.constant 15 : i32
        %and3A_149 = vector.broadcast %and3A_148 : i32 to vector<16xi32>
        %and3A_150 = arith.andi %shift_right_logical3A_147, %and3A_149 : vector<16xi32>
        %broadcast_in_dim3A_151 = vector.shape_cast %and3A_150 : vector<16xi32> to vector<16x1xi32>
        %gather3A_152 = vector.shape_cast %broadcast_in_dim3A_151 : vector<16x1xi32> to vector<16xi32>
        %gather3A_153 = tpu.dynamic_gather %div3A[%gather3A_152] in [0] : vector<16xf32>, vector<16xi32> -> vector<16xf32>
        %swap3A_154 = arith.index_cast %scan3A_121 : i32 to index
        %swap3A_155 = arith.constant 16 : index
        %swap3A_156 = tpu.vector_load %arg10[%swap3A_154, %swap3A_155] {strides = array<i32>} : memref<128x128xf32, #tpu.memory_space<vmem>>, vector<1x16xf32>,
        %swap3A_157 = vector.shape_cast %swap3A_156 : vector<1x16xf32> to vector<16xf32>
        %swap3A_158 = vector.shape_cast %gather3A_153 : vector<16xf32> to vector<1x16xf32>
        tpu.vector_store %arg10[%swap3A_154, %swap3A_155], %swap3A_158 {strides = array<i32>} : memref<128x128xf32, #tpu.memory_space<vmem>>, vector<1x16xf32>,
        %add3A_159 = arith.constant 4 : i32
        %add3A_160 = vector.broadcast %add3A_159 : i32 to vector<16xi32>
        %add3A_161 = arith.addi %shift_right_arithmetic3A_9, %add3A_160 : vector<16xi32>
        %broadcast_in_dim3A_162 = vector.shape_cast %add3A_161 : vector<16xi32> to vector<16x1xi32>
        %gather3A_163 = vector.shape_cast %broadcast_in_dim3A_162 : vector<16x1xi32> to vector<16xi32>
        %gather3A_164 = tpu.dynamic_gather %get3A_126[%gather3A_163] in [0] : vector<16xi32>, vector<16xi32> -> vector<16xi32>
        %shift_right_logical3A_165 = arith.shrui %gather3A_164, %add3A_27 : vector<16xi32>
        %and3A_166 = arith.constant 15 : i32
        %and3A_167 = vector.broadcast %and3A_166 : i32 to vector<16xi32>
        %and3A_168 = arith.andi %shift_right_logical3A_165, %and3A_167 : vector<16xi32>
        %broadcast_in_dim3A_169 = vector.shape_cast %and3A_168 : vector<16xi32> to vector<16x1xi32>
        %gather3A_170 = vector.shape_cast %broadcast_in_dim3A_169 : vector<16x1xi32> to vector<16xi32>
        %gather3A_171 = tpu.dynamic_gather %div3A[%gather3A_170] in [0] : vector<16xf32>, vector<16xi32> -> vector<16xf32>
        %swap3A_172 = arith.index_cast %scan3A_121 : i32 to index
        %swap3A_173 = arith.constant 32 : index
        %swap3A_174 = tpu.vector_load %arg10[%swap3A_172, %swap3A_173] {strides = array<i32>} : memref<128x128xf32, #tpu.memory_space<vmem>>, vector<1x16xf32>,
        %swap3A_175 = vector.shape_cast %swap3A_174 : vector<1x16xf32> to vector<16xf32>
        %swap3A_176 = vector.shape_cast %gather3A_171 : vector<16xf32> to vector<1x16xf32>
        tpu.vector_store %arg10[%swap3A_172, %swap3A_173], %swap3A_176 {strides = array<i32>} : memref<128x128xf32, #tpu.memory_space<vmem>>, vector<1x16xf32>,
        %add3A_177 = arith.constant 6 : i32
        %add3A_178 = vector.broadcast %add3A_177 : i32 to vector<16xi32>
        %add3A_179 = arith.addi %shift_right_arithmetic3A_9, %add3A_178 : vector<16xi32>
        %broadcast_in_dim3A_180 = vector.shape_cast %add3A_179 : vector<16xi32> to vector<16x1xi32>
        %gather3A_181 = vector.shape_cast %broadcast_in_dim3A_180 : vector<16x1xi32> to vector<16xi32>
        %gather3A_182 = tpu.dynamic_gather %get3A_126[%gather3A_181] in [0] : vector<16xi32>, vector<16xi32> -> vector<16xi32>
        %shift_right_logical3A_183 = arith.shrui %gather3A_182, %add3A_27 : vector<16xi32>
        %and3A_184 = arith.constant 15 : i32
        %and3A_185 = vector.broadcast %and3A_184 : i32 to vector<16xi32>
        %and3A_186 = arith.andi %shift_right_logical3A_183, %and3A_185 : vector<16xi32>
        %broadcast_in_dim3A_187 = vector.shape_cast %and3A_186 : vector<16xi32> to vector<16x1xi32>
        %gather3A_188 = vector.shape_cast %broadcast_in_dim3A_187 : vector<16x1xi32> to vector<16xi32>
        %gather3A_189 = tpu.dynamic_gather %div3A[%gather3A_188] in [0] : vector<16xf32>, vector<16xi32> -> vector<16xf32>
        %swap3A_190 = arith.index_cast %scan3A_121 : i32 to index
        %swap3A_191 = arith.constant 48 : index
        %swap3A_192 = tpu.vector_load %arg10[%swap3A_190, %swap3A_191] {strides = array<i32>} : memref<128x128xf32, #tpu.memory_space<vmem>>, vector<1x16xf32>,
        %swap3A_193 = vector.shape_cast %swap3A_192 : vector<1x16xf32> to vector<16xf32>
        %swap3A_194 = vector.shape_cast %gather3A_189 : vector<16xf32> to vector<1x16xf32>
        tpu.vector_store %arg10[%swap3A_190, %swap3A_191], %swap3A_194 {strides = array<i32>} : memref<128x128xf32, #tpu.memory_space<vmem>>, vector<1x16xf32>,
        %add3A_195 = arith.constant 8 : i32
        %add3A_196 = vector.broadcast %add3A_195 : i32 to vector<16xi32>
        %add3A_197 = arith.addi %shift_right_arithmetic3A_9, %add3A_196 : vector<16xi32>
        %broadcast_in_dim3A_198 = vector.shape_cast %add3A_197 : vector<16xi32> to vector<16x1xi32>
        %gather3A_199 = vector.shape_cast %broadcast_in_dim3A_198 : vector<16x1xi32> to vector<16xi32>
        %gather3A_200 = tpu.dynamic_gather %get3A_126[%gather3A_199] in [0] : vector<16xi32>, vector<16xi32> -> vector<16xi32>
        %shift_right_logical3A_201 = arith.shrui %gather3A_200, %add3A_27 : vector<16xi32>
        %and3A_202 = arith.constant 15 : i32
        %and3A_203 = vector.broadcast %and3A_202 : i32 to vector<16xi32>
        %and3A_204 = arith.andi %shift_right_logical3A_201, %and3A_203 : vector<16xi32>
        %broadcast_in_dim3A_205 = vector.shape_cast %and3A_204 : vector<16xi32> to vector<16x1xi32>
        %gather3A_206 = vector.shape_cast %broadcast_in_dim3A_205 : vector<16x1xi32> to vector<16xi32>
        %gather3A_207 = tpu.dynamic_gather %div3A[%gather3A_206] in [0] : vector<16xf32>, vector<16xi32> -> vector<16xf32>
        %swap3A_208 = arith.index_cast %scan3A_121 : i32 to index
        %swap3A_209 = arith.constant 64 : index
        %swap3A_210 = tpu.vector_load %arg10[%swap3A_208, %swap3A_209] {strides = array<i32>} : memref<128x128xf32, #tpu.memory_space<vmem>>, vector<1x16xf32>,
        %swap3A_211 = vector.shape_cast %swap3A_210 : vector<1x16xf32> to vector<16xf32>
        %swap3A_212 = vector.shape_cast %gather3A_207 : vector<16xf32> to vector<1x16xf32>
        tpu.vector_store %arg10[%swap3A_208, %swap3A_209], %swap3A_212 {strides = array<i32>} : memref<128x128xf32, #tpu.memory_space<vmem>>, vector<1x16xf32>,
        %add3A_213 = arith.constant 10 : i32
        %add3A_214 = vector.broadcast %add3A_213 : i32 to vector<16xi32>
        %add3A_215 = arith.addi %shift_right_arithmetic3A_9, %add3A_214 : vector<16xi32>
        %broadcast_in_dim3A_216 = vector.shape_cast %add3A_215 : vector<16xi32> to vector<16x1xi32>
        %gather3A_217 = vector.shape_cast %broadcast_in_dim3A_216 : vector<16x1xi32> to vector<16xi32>
        %gather3A_218 = tpu.dynamic_gather %get3A_126[%gather3A_217] in [0] : vector<16xi32>, vector<16xi32> -> vector<16xi32>
        %shift_right_logical3A_219 = arith.shrui %gather3A_218, %add3A_27 : vector<16xi32>
        %and3A_220 = arith.constant 15 : i32
        %and3A_221 = vector.broadcast %and3A_220 : i32 to vector<16xi32>
        %and3A_222 = arith.andi %shift_right_logical3A_219, %and3A_221 : vector<16xi32>
        %broadcast_in_dim3A_223 = vector.shape_cast %and3A_222 : vector<16xi32> to vector<16x1xi32>
        %gather3A_224 = vector.shape_cast %broadcast_in_dim3A_223 : vector<16x1xi32> to vector<16xi32>
        %gather3A_225 = tpu.dynamic_gather %div3A[%gather3A_224] in [0] : vector<16xf32>, vector<16xi32> -> vector<16xf32>
        %swap3A_226 = arith.index_cast %scan3A_121 : i32 to index
        %swap3A_227 = arith.constant 80 : index
        %swap3A_228 = tpu.vector_load %arg10[%swap3A_226, %swap3A_227] {strides = array<i32>} : memref<128x128xf32, #tpu.memory_space<vmem>>, vector<1x16xf32>,
        %swap3A_229 = vector.shape_cast %swap3A_228 : vector<1x16xf32> to vector<16xf32>
        %swap3A_230 = vector.shape_cast %gather3A_225 : vector<16xf32> to vector<1x16xf32>
        tpu.vector_store %arg10[%swap3A_226, %swap3A_227], %swap3A_230 {strides = array<i32>} : memref<128x128xf32, #tpu.memory_space<vmem>>, vector<1x16xf32>,
        %add3A_231 = arith.constant 12 : i32
        %add3A_232 = vector.broadcast %add3A_231 : i32 to vector<16xi32>
        %add3A_233 = arith.addi %shift_right_arithmetic3A_9, %add3A_232 : vector<16xi32>
        %broadcast_in_dim3A_234 = vector.shape_cast %add3A_233 : vector<16xi32> to vector<16x1xi32>
        %gather3A_235 = vector.shape_cast %broadcast_in_dim3A_234 : vector<16x1xi32> to vector<16xi32>
        %gather3A_236 = tpu.dynamic_gather %get3A_126[%gather3A_235] in [0] : vector<16xi32>, vector<16xi32> -> vector<16xi32>
        %shift_right_logical3A_237 = arith.shrui %gather3A_236, %add3A_27 : vector<16xi32>
        %and3A_238 = arith.constant 15 : i32
        %and3A_239 = vector.broadcast %and3A_238 : i32 to vector<16xi32>
        %and3A_240 = arith.andi %shift_right_logical3A_237, %and3A_239 : vector<16xi32>
        %broadcast_in_dim3A_241 = vector.shape_cast %and3A_240 : vector<16xi32> to vector<16x1xi32>
        %gather3A_242 = vector.shape_cast %broadcast_in_dim3A_241 : vector<16x1xi32> to vector<16xi32>
        %gather3A_243 = tpu.dynamic_gather %div3A[%gather3A_242] in [0] : vector<16xf32>, vector<16xi32> -> vector<16xf32>
        %swap3A_244 = arith.index_cast %scan3A_121 : i32 to index
        %swap3A_245 = arith.constant 96 : index
        %swap3A_246 = tpu.vector_load %arg10[%swap3A_244, %swap3A_245] {strides = array<i32>} : memref<128x128xf32, #tpu.memory_space<vmem>>, vector<1x16xf32>,
        %swap3A_247 = vector.shape_cast %swap3A_246 : vector<1x16xf32> to vector<16xf32>
        %swap3A_248 = vector.shape_cast %gather3A_243 : vector<16xf32> to vector<1x16xf32>
        tpu.vector_store %arg10[%swap3A_244, %swap3A_245], %swap3A_248 {strides = array<i32>} : memref<128x128xf32, #tpu.memory_space<vmem>>, vector<1x16xf32>,
        %add3A_249 = arith.constant 14 : i32
        %add3A_250 = vector.broadcast %add3A_249 : i32 to vector<16xi32>
        %add3A_251 = arith.addi %shift_right_arithmetic3A_9, %add3A_250 : vector<16xi32>
        %broadcast_in_dim3A_252 = vector.shape_cast %add3A_251 : vector<16xi32> to vector<16x1xi32>
        %gather3A_253 = vector.shape_cast %broadcast_in_dim3A_252 : vector<16x1xi32> to vector<16xi32>
        %gather3A_254 = tpu.dynamic_gather %get3A_126[%gather3A_253] in [0] : vector<16xi32>, vector<16xi32> -> vector<16xi32>
        %shift_right_logical3A_255 = arith.shrui %gather3A_254, %add3A_27 : vector<16xi32>
        %and3A_256 = arith.constant 15 : i32
        %and3A_257 = vector.broadcast %and3A_256 : i32 to vector<16xi32>
        %and3A_258 = arith.andi %shift_right_logical3A_255, %and3A_257 : vector<16xi32>
        %broadcast_in_dim3A_259 = vector.shape_cast %and3A_258 : vector<16xi32> to vector<16x1xi32>
        %gather3A_260 = vector.shape_cast %broadcast_in_dim3A_259 : vector<16x1xi32> to vector<16xi32>
        %gather3A_261 = tpu.dynamic_gather %div3A[%gather3A_260] in [0] : vector<16xf32>, vector<16xi32> -> vector<16xf32>
        %swap3A_262 = arith.index_cast %scan3A_121 : i32 to index
        %swap3A_263 = arith.constant 112 : index
        %swap3A_264 = tpu.vector_load %arg10[%swap3A_262, %swap3A_263] {strides = array<i32>} : memref<128x128xf32, #tpu.memory_space<vmem>>, vector<1x16xf32>,
        %swap3A_265 = vector.shape_cast %swap3A_264 : vector<1x16xf32> to vector<16xf32>
        %swap3A_266 = vector.shape_cast %gather3A_261 : vector<16xf32> to vector<1x16xf32>
        tpu.vector_store %arg10[%swap3A_262, %swap3A_263], %swap3A_266 {strides = array<i32>} : memref<128x128xf32, #tpu.memory_space<vmem>>, vector<1x16xf32>,
        %scan3A_267 = arith.constant 0 : i32
        %scan3A_268 = arith.constant 1 : i32
        %scan3A_269 = arith.addi %scan3A_121, %scan3A_268 : i32
        %get3A_270 = arith.index_cast %scan3A_269 : i32 to index
        %get3A_271 = arith.constant 0 : index
        %get3A_272 = tpu.vector_load %arg8[%get3A_270, %get3A_271] {strides = array<i32>} : memref<128x16xi32, #tpu.memory_space<vmem>>, vector<1x16xi32>,
        %get3A_273 = vector.shape_cast %get3A_272 : vector<1x16xi32> to vector<16xi32>
        %add3A_274 = arith.constant 0 : i32
        %add3A_275 = vector.broadcast %add3A_274 : i32 to vector<16xi32>
        %add3A_276 = arith.addi %shift_right_arithmetic3A_9, %add3A_275 : vector<16xi32>
        %broadcast_in_dim3A_277 = vector.shape_cast %add3A_276 : vector<16xi32> to vector<16x1xi32>
        %gather3A_278 = vector.shape_cast %broadcast_in_dim3A_277 : vector<16x1xi32> to vector<16xi32>
        %gather3A_279 = tpu.dynamic_gather %get3A_273[%gather3A_278] in [0] : vector<16xi32>, vector<16xi32> -> vector<16xi32>
        %shift_right_logical3A_280 = arith.shrui %gather3A_279, %add3A_27 : vector<16xi32>
        %and3A_281 = arith.constant 15 : i32
        %and3A_282 = vector.broadcast %and3A_281 : i32 to vector<16xi32>
        %and3A_283 = arith.andi %shift_right_logical3A_280, %and3A_282 : vector<16xi32>
        %broadcast_in_dim3A_284 = vector.shape_cast %and3A_283 : vector<16xi32> to vector<16x1xi32>
        %gather3A_285 = vector.shape_cast %broadcast_in_dim3A_284 : vector<16x1xi32> to vector<16xi32>
        %gather3A_286 = tpu.dynamic_gather %div3A[%gather3A_285] in [0] : vector<16xf32>, vector<16xi32> -> vector<16xf32>
        %swap3A_287 = arith.index_cast %scan3A_269 : i32 to index
        %swap3A_288 = arith.constant 0 : index
        %swap3A_289 = tpu.vector_load %arg10[%swap3A_287, %swap3A_288] {strides = array<i32>} : memref<128x128xf32, #tpu.memory_space<vmem>>, vector<1x16xf32>,
        %swap3A_290 = vector.shape_cast %swap3A_289 : vector<1x16xf32> to vector<16xf32>
        %swap3A_291 = vector.shape_cast %gather3A_286 : vector<16xf32> to vector<1x16xf32>
        tpu.vector_store %arg10[%swap3A_287, %swap3A_288], %swap3A_291 {strides = array<i32>} : memref<128x128xf32, #tpu.memory_space<vmem>>, vector<1x16xf32>,
        %add3A_292 = arith.constant 2 : i32
        %add3A_293 = vector.broadcast %add3A_292 : i32 to vector<16xi32>
        %add3A_294 = arith.addi %shift_right_arithmetic3A_9, %add3A_293 : vector<16xi32>
        %broadcast_in_dim3A_295 = vector.shape_cast %add3A_294 : vector<16xi32> to vector<16x1xi32>
        %gather3A_296 = vector.shape_cast %broadcast_in_dim3A_295 : vector<16x1xi32> to vector<16xi32>
        %gather3A_297 = tpu.dynamic_gather %get3A_273[%gather3A_296] in [0] : vector<16xi32>, vector<16xi32> -> vector<16xi32>
        %shift_right_logical3A_298 = arith.shrui %gather3A_297, %add3A_27 : vector<16xi32>
        %and3A_299 = arith.constant 15 : i32
        %and3A_300 = vector.broadcast %and3A_299 : i32 to vector<16xi32>
        %and3A_301 = arith.andi %shift_right_logical3A_298, %and3A_300 : vector<16xi32>
        %broadcast_in_dim3A_302 = vector.shape_cast %and3A_301 : vector<16xi32> to vector<16x1xi32>
        %gather3A_303 = vector.shape_cast %broadcast_in_dim3A_302 : vector<16x1xi32> to vector<16xi32>
        %gather3A_304 = tpu.dynamic_gather %div3A[%gather3A_303] in [0] : vector<16xf32>, vector<16xi32> -> vector<16xf32>
        %swap3A_305 = arith.index_cast %scan3A_269 : i32 to index
        %swap3A_306 = arith.constant 16 : index
        %swap3A_307 = tpu.vector_load %arg10[%swap3A_305, %swap3A_306] {strides = array<i32>} : memref<128x128xf32, #tpu.memory_space<vmem>>, vector<1x16xf32>,
        %swap3A_308 = vector.shape_cast %swap3A_307 : vector<1x16xf32> to vector<16xf32>
        %swap3A_309 = vector.shape_cast %gather3A_304 : vector<16xf32> to vector<1x16xf32>
        tpu.vector_store %arg10[%swap3A_305, %swap3A_306], %swap3A_309 {strides = array<i32>} : memref<128x128xf32, #tpu.memory_space<vmem>>, vector<1x16xf32>,
        %add3A_310 = arith.constant 4 : i32
        %add3A_311 = vector.broadcast %add3A_310 : i32 to vector<16xi32>
        %add3A_312 = arith.addi %shift_right_arithmetic3A_9, %add3A_311 : vector<16xi32>
        %broadcast_in_dim3A_313 = vector.shape_cast %add3A_312 : vector<16xi32> to vector<16x1xi32>
        %gather3A_314 = vector.shape_cast %broadcast_in_dim3A_313 : vector<16x1xi32> to vector<16xi32>
        %gather3A_315 = tpu.dynamic_gather %get3A_273[%gather3A_314] in [0] : vector<16xi32>, vector<16xi32> -> vector<16xi32>
        %shift_right_logical3A_316 = arith.shrui %gather3A_315, %add3A_27 : vector<16xi32>
        %and3A_317 = arith.constant 15 : i32
        %and3A_318 = vector.broadcast %and3A_317 : i32 to vector<16xi32>
        %and3A_319 = arith.andi %shift_right_logical3A_316, %and3A_318 : vector<16xi32>
        %broadcast_in_dim3A_320 = vector.shape_cast %and3A_319 : vector<16xi32> to vector<16x1xi32>
        %gather3A_321 = vector.shape_cast %broadcast_in_dim3A_320 : vector<16x1xi32> to vector<16xi32>
        %gather3A_322 = tpu.dynamic_gather %div3A[%gather3A_321] in [0] : vector<16xf32>, vector<16xi32> -> vector<16xf32>
        %swap3A_323 = arith.index_cast %scan3A_269 : i32 to index
        %swap3A_324 = arith.constant 32 : index
        %swap3A_325 = tpu.vector_load %arg10[%swap3A_323, %swap3A_324] {strides = array<i32>} : memref<128x128xf32, #tpu.memory_space<vmem>>, vector<1x16xf32>,
        %swap3A_326 = vector.shape_cast %swap3A_325 : vector<1x16xf32> to vector<16xf32>
        %swap3A_327 = vector.shape_cast %gather3A_322 : vector<16xf32> to vector<1x16xf32>
        tpu.vector_store %arg10[%swap3A_323, %swap3A_324], %swap3A_327 {strides = array<i32>} : memref<128x128xf32, #tpu.memory_space<vmem>>, vector<1x16xf32>,
        %add3A_328 = arith.constant 6 : i32
        %add3A_329 = vector.broadcast %add3A_328 : i32 to vector<16xi32>
        %add3A_330 = arith.addi %shift_right_arithmetic3A_9, %add3A_329 : vector<16xi32>
        %broadcast_in_dim3A_331 = vector.shape_cast %add3A_330 : vector<16xi32> to vector<16x1xi32>
        %gather3A_332 = vector.shape_cast %broadcast_in_dim3A_331 : vector<16x1xi32> to vector<16xi32>
        %gather3A_333 = tpu.dynamic_gather %get3A_273[%gather3A_332] in [0] : vector<16xi32>, vector<16xi32> -> vector<16xi32>
        %shift_right_logical3A_334 = arith.shrui %gather3A_333, %add3A_27 : vector<16xi32>
        %and3A_335 = arith.constant 15 : i32
        %and3A_336 = vector.broadcast %and3A_335 : i32 to vector<16xi32>
        %and3A_337 = arith.andi %shift_right_logical3A_334, %and3A_336 : vector<16xi32>
        %broadcast_in_dim3A_338 = vector.shape_cast %and3A_337 : vector<16xi32> to vector<16x1xi32>
        %gather3A_339 = vector.shape_cast %broadcast_in_dim3A_338 : vector<16x1xi32> to vector<16xi32>
        %gather3A_340 = tpu.dynamic_gather %div3A[%gather3A_339] in [0] : vector<16xf32>, vector<16xi32> -> vector<16xf32>
        %swap3A_341 = arith.index_cast %scan3A_269 : i32 to index
        %swap3A_342 = arith.constant 48 : index
        %swap3A_343 = tpu.vector_load %arg10[%swap3A_341, %swap3A_342] {strides = array<i32>} : memref<128x128xf32, #tpu.memory_space<vmem>>, vector<1x16xf32>,
        %swap3A_344 = vector.shape_cast %swap3A_343 : vector<1x16xf32> to vector<16xf32>
        %swap3A_345 = vector.shape_cast %gather3A_340 : vector<16xf32> to vector<1x16xf32>
        tpu.vector_store %arg10[%swap3A_341, %swap3A_342], %swap3A_345 {strides = array<i32>} : memref<128x128xf32, #tpu.memory_space<vmem>>, vector<1x16xf32>,
        %add3A_346 = arith.constant 8 : i32
        %add3A_347 = vector.broadcast %add3A_346 : i32 to vector<16xi32>
        %add3A_348 = arith.addi %shift_right_arithmetic3A_9, %add3A_347 : vector<16xi32>
        %broadcast_in_dim3A_349 = vector.shape_cast %add3A_348 : vector<16xi32> to vector<16x1xi32>
        %gather3A_350 = vector.shape_cast %broadcast_in_dim3A_349 : vector<16x1xi32> to vector<16xi32>
        %gather3A_351 = tpu.dynamic_gather %get3A_273[%gather3A_350] in [0] : vector<16xi32>, vector<16xi32> -> vector<16xi32>
        %shift_right_logical3A_352 = arith.shrui %gather3A_351, %add3A_27 : vector<16xi32>
        %and3A_353 = arith.constant 15 : i32
        %and3A_354 = vector.broadcast %and3A_353 : i32 to vector<16xi32>
        %and3A_355 = arith.andi %shift_right_logical3A_352, %and3A_354 : vector<16xi32>
        %broadcast_in_dim3A_356 = vector.shape_cast %and3A_355 : vector<16xi32> to vector<16x1xi32>
        %gather3A_357 = vector.shape_cast %broadcast_in_dim3A_356 : vector<16x1xi32> to vector<16xi32>
        %gather3A_358 = tpu.dynamic_gather %div3A[%gather3A_357] in [0] : vector<16xf32>, vector<16xi32> -> vector<16xf32>
        %swap3A_359 = arith.index_cast %scan3A_269 : i32 to index
        %swap3A_360 = arith.constant 64 : index
        %swap3A_361 = tpu.vector_load %arg10[%swap3A_359, %swap3A_360] {strides = array<i32>} : memref<128x128xf32, #tpu.memory_space<vmem>>, vector<1x16xf32>,
        %swap3A_362 = vector.shape_cast %swap3A_361 : vector<1x16xf32> to vector<16xf32>
        %swap3A_363 = vector.shape_cast %gather3A_358 : vector<16xf32> to vector<1x16xf32>
        tpu.vector_store %arg10[%swap3A_359, %swap3A_360], %swap3A_363 {strides = array<i32>} : memref<128x128xf32, #tpu.memory_space<vmem>>, vector<1x16xf32>,
        %add3A_364 = arith.constant 10 : i32
        %add3A_365 = vector.broadcast %add3A_364 : i32 to vector<16xi32>
        %add3A_366 = arith.addi %shift_right_arithmetic3A_9, %add3A_365 : vector<16xi32>
        %broadcast_in_dim3A_367 = vector.shape_cast %add3A_366 : vector<16xi32> to vector<16x1xi32>
        %gather3A_368 = vector.shape_cast %broadcast_in_dim3A_367 : vector<16x1xi32> to vector<16xi32>
        %gather3A_369 = tpu.dynamic_gather %get3A_273[%gather3A_368] in [0] : vector<16xi32>, vector<16xi32> -> vector<16xi32>
        %shift_right_logical3A_370 = arith.shrui %gather3A_369, %add3A_27 : vector<16xi32>
        %and3A_371 = arith.constant 15 : i32
        %and3A_372 = vector.broadcast %and3A_371 : i32 to vector<16xi32>
        %and3A_373 = arith.andi %shift_right_logical3A_370, %and3A_372 : vector<16xi32>
        %broadcast_in_dim3A_374 = vector.shape_cast %and3A_373 : vector<16xi32> to vector<16x1xi32>
        %gather3A_375 = vector.shape_cast %broadcast_in_dim3A_374 : vector<16x1xi32> to vector<16xi32>
        %gather3A_376 = tpu.dynamic_gather %div3A[%gather3A_375] in [0] : vector<16xf32>, vector<16xi32> -> vector<16xf32>
        %swap3A_377 = arith.index_cast %scan3A_269 : i32 to index
        %swap3A_378 = arith.constant 80 : index
        %swap3A_379 = tpu.vector_load %arg10[%swap3A_377, %swap3A_378] {strides = array<i32>} : memref<128x128xf32, #tpu.memory_space<vmem>>, vector<1x16xf32>,
        %swap3A_380 = vector.shape_cast %swap3A_379 : vector<1x16xf32> to vector<16xf32>
        %swap3A_381 = vector.shape_cast %gather3A_376 : vector<16xf32> to vector<1x16xf32>
        tpu.vector_store %arg10[%swap3A_377, %swap3A_378], %swap3A_381 {strides = array<i32>} : memref<128x128xf32, #tpu.memory_space<vmem>>, vector<1x16xf32>,
        %add3A_382 = arith.constant 12 : i32
        %add3A_383 = vector.broadcast %add3A_382 : i32 to vector<16xi32>
        %add3A_384 = arith.addi %shift_right_arithmetic3A_9, %add3A_383 : vector<16xi32>
        %broadcast_in_dim3A_385 = vector.shape_cast %add3A_384 : vector<16xi32> to vector<16x1xi32>
        %gather3A_386 = vector.shape_cast %broadcast_in_dim3A_385 : vector<16x1xi32> to vector<16xi32>
        %gather3A_387 = tpu.dynamic_gather %get3A_273[%gather3A_386] in [0] : vector<16xi32>, vector<16xi32> -> vector<16xi32>
        %shift_right_logical3A_388 = arith.shrui %gather3A_387, %add3A_27 : vector<16xi32>
        %and3A_389 = arith.constant 15 : i32
        %and3A_390 = vector.broadcast %and3A_389 : i32 to vector<16xi32>
        %and3A_391 = arith.andi %shift_right_logical3A_388, %and3A_390 : vector<16xi32>
        %broadcast_in_dim3A_392 = vector.shape_cast %and3A_391 : vector<16xi32> to vector<16x1xi32>
        %gather3A_393 = vector.shape_cast %broadcast_in_dim3A_392 : vector<16x1xi32> to vector<16xi32>
        %gather3A_394 = tpu.dynamic_gather %div3A[%gather3A_393] in [0] : vector<16xf32>, vector<16xi32> -> vector<16xf32>
        %swap3A_395 = arith.index_cast %scan3A_269 : i32 to index
        %swap3A_396 = arith.constant 96 : index
        %swap3A_397 = tpu.vector_load %arg10[%swap3A_395, %swap3A_396] {strides = array<i32>} : memref<128x128xf32, #tpu.memory_space<vmem>>, vector<1x16xf32>,
        %swap3A_398 = vector.shape_cast %swap3A_397 : vector<1x16xf32> to vector<16xf32>
        %swap3A_399 = vector.shape_cast %gather3A_394 : vector<16xf32> to vector<1x16xf32>
        tpu.vector_store %arg10[%swap3A_395, %swap3A_396], %swap3A_399 {strides = array<i32>} : memref<128x128xf32, #tpu.memory_space<vmem>>, vector<1x16xf32>,
        %add3A_400 = arith.constant 14 : i32
        %add3A_401 = vector.broadcast %add3A_400 : i32 to vector<16xi32>
        %add3A_402 = arith.addi %shift_right_arithmetic3A_9, %add3A_401 : vector<16xi32>
        %broadcast_in_dim3A_403 = vector.shape_cast %add3A_402 : vector<16xi32> to vector<16x1xi32>
        %gather3A_404 = vector.shape_cast %broadcast_in_dim3A_403 : vector<16x1xi32> to vector<16xi32>
        %gather3A_405 = tpu.dynamic_gather %get3A_273[%gather3A_404] in [0] : vector<16xi32>, vector<16xi32> -> vector<16xi32>
        %shift_right_logical3A_406 = arith.shrui %gather3A_405, %add3A_27 : vector<16xi32>
        %and3A_407 = arith.constant 15 : i32
        %and3A_408 = vector.broadcast %and3A_407 : i32 to vector<16xi32>
        %and3A_409 = arith.andi %shift_right_logical3A_406, %and3A_408 : vector<16xi32>
        %broadcast_in_dim3A_410 = vector.shape_cast %and3A_409 : vector<16xi32> to vector<16x1xi32>
        %gather3A_411 = vector.shape_cast %broadcast_in_dim3A_410 : vector<16x1xi32> to vector<16xi32>
        %gather3A_412 = tpu.dynamic_gather %div3A[%gather3A_411] in [0] : vector<16xf32>, vector<16xi32> -> vector<16xf32>
        %swap3A_413 = arith.index_cast %scan3A_269 : i32 to index
        %swap3A_414 = arith.constant 112 : index
        %swap3A_415 = tpu.vector_load %arg10[%swap3A_413, %swap3A_414] {strides = array<i32>} : memref<128x128xf32, #tpu.memory_space<vmem>>, vector<1x16xf32>,
        %swap3A_416 = vector.shape_cast %swap3A_415 : vector<1x16xf32> to vector<16xf32>
        %swap3A_417 = vector.shape_cast %gather3A_412 : vector<16xf32> to vector<1x16xf32>
        tpu.vector_store %arg10[%swap3A_413, %swap3A_414], %swap3A_417 {strides = array<i32>} : memref<128x128xf32, #tpu.memory_space<vmem>>, vector<1x16xf32>,
        %scan3A_418 = arith.constant 0 : i32
        %scan3A_419 = arith.constant 2 : i32
        %scan3A_420 = arith.addi %scan3A_121, %scan3A_419 : i32
        %get3A_421 = arith.index_cast %scan3A_420 : i32 to index
        %get3A_422 = arith.constant 0 : index
        %get3A_423 = tpu.vector_load %arg8[%get3A_421, %get3A_422] {strides = array<i32>} : memref<128x16xi32, #tpu.memory_space<vmem>>, vector<1x16xi32>,
        %get3A_424 = vector.shape_cast %get3A_423 : vector<1x16xi32> to vector<16xi32>
        %add3A_425 = arith.constant 0 : i32
        %add3A_426 = vector.broadcast %add3A_425 : i32 to vector<16xi32>
        %add3A_427 = arith.addi %shift_right_arithmetic3A_9, %add3A_426 : vector<16xi32>
        %broadcast_in_dim3A_428 = vector.shape_cast %add3A_427 : vector<16xi32> to vector<16x1xi32>
        %gather3A_429 = vector.shape_cast %broadcast_in_dim3A_428 : vector<16x1xi32> to vector<16xi32>
        %gather3A_430 = tpu.dynamic_gather %get3A_424[%gather3A_429] in [0] : vector<16xi32>, vector<16xi32> -> vector<16xi32>
        %shift_right_logical3A_431 = arith.shrui %gather3A_430, %add3A_27 : vector<16xi32>
        %and3A_432 = arith.constant 15 : i32
        %and3A_433 = vector.broadcast %and3A_432 : i32 to vector<16xi32>
        %and3A_434 = arith.andi %shift_right_logical3A_431, %and3A_433 : vector<16xi32>
        %broadcast_in_dim3A_435 = vector.shape_cast %and3A_434 : vector<16xi32> to vector<16x1xi32>
        %gather3A_436 = vector.shape_cast %broadcast_in_dim3A_435 : vector<16x1xi32> to vector<16xi32>
        %gather3A_437 = tpu.dynamic_gather %div3A[%gather3A_436] in [0] : vector<16xf32>, vector<16xi32> -> vector<16xf32>
        %swap3A_438 = arith.index_cast %scan3A_420 : i32 to index
        %swap3A_439 = arith.constant 0 : index
        %swap3A_440 = tpu.vector_load %arg10[%swap3A_438, %swap3A_439] {strides = array<i32>} : memref<128x128xf32, #tpu.memory_space<vmem>>, vector<1x16xf32>,
        %swap3A_441 = vector.shape_cast %swap3A_440 : vector<1x16xf32> to vector<16xf32>
        %swap3A_442 = vector.shape_cast %gather3A_437 : vector<16xf32> to vector<1x16xf32>
        tpu.vector_store %arg10[%swap3A_438, %swap3A_439], %swap3A_442 {strides = array<i32>} : memref<128x128xf32, #tpu.memory_space<vmem>>, vector<1x16xf32>,
        %add3A_443 = arith.constant 2 : i32
        %add3A_444 = vector.broadcast %add3A_443 : i32 to vector<16xi32>
        %add3A_445 = arith.addi %shift_right_arithmetic3A_9, %add3A_444 : vector<16xi32>
        %broadcast_in_dim3A_446 = vector.shape_cast %add3A_445 : vector<16xi32> to vector<16x1xi32>
        %gather3A_447 = vector.shape_cast %broadcast_in_dim3A_446 : vector<16x1xi32> to vector<16xi32>
        %gather3A_448 = tpu.dynamic_gather %get3A_424[%gather3A_447] in [0] : vector<16xi32>, vector<16xi32> -> vector<16xi32>
        %shift_right_logical3A_449 = arith.shrui %gather3A_448, %add3A_27 : vector<16xi32>
        %and3A_450 = arith.constant 15 : i32
        %and3A_451 = vector.broadcast %and3A_450 : i32 to vector<16xi32>
        %and3A_452 = arith.andi %shift_right_logical3A_449, %and3A_451 : vector<16xi32>
        %broadcast_in_dim3A_453 = vector.shape_cast %and3A_452 : vector<16xi32> to vector<16x1xi32>
        %gather3A_454 = vector.shape_cast %broadcast_in_dim3A_453 : vector<16x1xi32> to vector<16xi32>
        %gather3A_455 = tpu.dynamic_gather %div3A[%gather3A_454] in [0] : vector<16xf32>, vector<16xi32> -> vector<16xf32>
        %swap3A_456 = arith.index_cast %scan3A_420 : i32 to index
        %swap3A_457 = arith.constant 16 : index
        %swap3A_458 = tpu.vector_load %arg10[%swap3A_456, %swap3A_457] {strides = array<i32>} : memref<128x128xf32, #tpu.memory_space<vmem>>, vector<1x16xf32>,
        %swap3A_459 = vector.shape_cast %swap3A_458 : vector<1x16xf32> to vector<16xf32>
        %swap3A_460 = vector.shape_cast %gather3A_455 : vector<16xf32> to vector<1x16xf32>
        tpu.vector_store %arg10[%swap3A_456, %swap3A_457], %swap3A_460 {strides = array<i32>} : memref<128x128xf32, #tpu.memory_space<vmem>>, vector<1x16xf32>,
        %add3A_461 = arith.constant 4 : i32
        %add3A_462 = vector.broadcast %add3A_461 : i32 to vector<16xi32>
        %add3A_463 = arith.addi %shift_right_arithmetic3A_9, %add3A_462 : vector<16xi32>
        %broadcast_in_dim3A_464 = vector.shape_cast %add3A_463 : vector<16xi32> to vector<16x1xi32>
        %gather3A_465 = vector.shape_cast %broadcast_in_dim3A_464 : vector<16x1xi32> to vector<16xi32>
        %gather3A_466 = tpu.dynamic_gather %get3A_424[%gather3A_465] in [0] : vector<16xi32>, vector<16xi32> -> vector<16xi32>
        %shift_right_logical3A_467 = arith.shrui %gather3A_466, %add3A_27 : vector<16xi32>
        %and3A_468 = arith.constant 15 : i32
        %and3A_469 = vector.broadcast %and3A_468 : i32 to vector<16xi32>
        %and3A_470 = arith.andi %shift_right_logical3A_467, %and3A_469 : vector<16xi32>
        %broadcast_in_dim3A_471 = vector.shape_cast %and3A_470 : vector<16xi32> to vector<16x1xi32>
        %gather3A_472 = vector.shape_cast %broadcast_in_dim3A_471 : vector<16x1xi32> to vector<16xi32>
        %gather3A_473 = tpu.dynamic_gather %div3A[%gather3A_472] in [0] : vector<16xf32>, vector<16xi32> -> vector<16xf32>
        %swap3A_474 = arith.index_cast %scan3A_420 : i32 to index
        %swap3A_475 = arith.constant 32 : index
        %swap3A_476 = tpu.vector_load %arg10[%swap3A_474, %swap3A_475] {strides = array<i32>} : memref<128x128xf32, #tpu.memory_space<vmem>>, vector<1x16xf32>,
        %swap3A_477 = vector.shape_cast %swap3A_476 : vector<1x16xf32> to vector<16xf32>
        %swap3A_478 = vector.shape_cast %gather3A_473 : vector<16xf32> to vector<1x16xf32>
        tpu.vector_store %arg10[%swap3A_474, %swap3A_475], %swap3A_478 {strides = array<i32>} : memref<128x128xf32, #tpu.memory_space<vmem>>, vector<1x16xf32>,
        %add3A_479 = arith.constant 6 : i32
        %add3A_480 = vector.broadcast %add3A_479 : i32 to vector<16xi32>
        %add3A_481 = arith.addi %shift_right_arithmetic3A_9, %add3A_480 : vector<16xi32>
        %broadcast_in_dim3A_482 = vector.shape_cast %add3A_481 : vector<16xi32> to vector<16x1xi32>
        %gather3A_483 = vector.shape_cast %broadcast_in_dim3A_482 : vector<16x1xi32> to vector<16xi32>
        %gather3A_484 = tpu.dynamic_gather %get3A_424[%gather3A_483] in [0] : vector<16xi32>, vector<16xi32> -> vector<16xi32>
        %shift_right_logical3A_485 = arith.shrui %gather3A_484, %add3A_27 : vector<16xi32>
        %and3A_486 = arith.constant 15 : i32
        %and3A_487 = vector.broadcast %and3A_486 : i32 to vector<16xi32>
        %and3A_488 = arith.andi %shift_right_logical3A_485, %and3A_487 : vector<16xi32>
        %broadcast_in_dim3A_489 = vector.shape_cast %and3A_488 : vector<16xi32> to vector<16x1xi32>
        %gather3A_490 = vector.shape_cast %broadcast_in_dim3A_489 : vector<16x1xi32> to vector<16xi32>
        %gather3A_491 = tpu.dynamic_gather %div3A[%gather3A_490] in [0] : vector<16xf32>, vector<16xi32> -> vector<16xf32>
        %swap3A_492 = arith.index_cast %scan3A_420 : i32 to index
        %swap3A_493 = arith.constant 48 : index
        %swap3A_494 = tpu.vector_load %arg10[%swap3A_492, %swap3A_493] {strides = array<i32>} : memref<128x128xf32, #tpu.memory_space<vmem>>, vector<1x16xf32>,
        %swap3A_495 = vector.shape_cast %swap3A_494 : vector<1x16xf32> to vector<16xf32>
        %swap3A_496 = vector.shape_cast %gather3A_491 : vector<16xf32> to vector<1x16xf32>
        tpu.vector_store %arg10[%swap3A_492, %swap3A_493], %swap3A_496 {strides = array<i32>} : memref<128x128xf32, #tpu.memory_space<vmem>>, vector<1x16xf32>,
        %add3A_497 = arith.constant 8 : i32
        %add3A_498 = vector.broadcast %add3A_497 : i32 to vector<16xi32>
        %add3A_499 = arith.addi %shift_right_arithmetic3A_9, %add3A_498 : vector<16xi32>
        %broadcast_in_dim3A_500 = vector.shape_cast %add3A_499 : vector<16xi32> to vector<16x1xi32>
        %gather3A_501 = vector.shape_cast %broadcast_in_dim3A_500 : vector<16x1xi32> to vector<16xi32>
        %gather3A_502 = tpu.dynamic_gather %get3A_424[%gather3A_501] in [0] : vector<16xi32>, vector<16xi32> -> vector<16xi32>
        %shift_right_logical3A_503 = arith.shrui %gather3A_502, %add3A_27 : vector<16xi32>
        %and3A_504 = arith.constant 15 : i32
        %and3A_505 = vector.broadcast %and3A_504 : i32 to vector<16xi32>
        %and3A_506 = arith.andi %shift_right_logical3A_503, %and3A_505 : vector<16xi32>
        %broadcast_in_dim3A_507 = vector.shape_cast %and3A_506 : vector<16xi32> to vector<16x1xi32>
        %gather3A_508 = vector.shape_cast %broadcast_in_dim3A_507 : vector<16x1xi32> to vector<16xi32>
        %gather3A_509 = tpu.dynamic_gather %div3A[%gather3A_508] in [0] : vector<16xf32>, vector<16xi32> -> vector<16xf32>
        %swap3A_510 = arith.index_cast %scan3A_420 : i32 to index
        %swap3A_511 = arith.constant 64 : index
        %swap3A_512 = tpu.vector_load %arg10[%swap3A_510, %swap3A_511] {strides = array<i32>} : memref<128x128xf32, #tpu.memory_space<vmem>>, vector<1x16xf32>,
        %swap3A_513 = vector.shape_cast %swap3A_512 : vector<1x16xf32> to vector<16xf32>
        %swap3A_514 = vector.shape_cast %gather3A_509 : vector<16xf32> to vector<1x16xf32>
        tpu.vector_store %arg10[%swap3A_510, %swap3A_511], %swap3A_514 {strides = array<i32>} : memref<128x128xf32, #tpu.memory_space<vmem>>, vector<1x16xf32>,
        %add3A_515 = arith.constant 10 : i32
        %add3A_516 = vector.broadcast %add3A_515 : i32 to vector<16xi32>
        %add3A_517 = arith.addi %shift_right_arithmetic3A_9, %add3A_516 : vector<16xi32>
        %broadcast_in_dim3A_518 = vector.shape_cast %add3A_517 : vector<16xi32> to vector<16x1xi32>
        %gather3A_519 = vector.shape_cast %broadcast_in_dim3A_518 : vector<16x1xi32> to vector<16xi32>
        %gather3A_520 = tpu.dynamic_gather %get3A_424[%gather3A_519] in [0] : vector<16xi32>, vector<16xi32> -> vector<16xi32>
        %shift_right_logical3A_521 = arith.shrui %gather3A_520, %add3A_27 : vector<16xi32>
        %and3A_522 = arith.constant 15 : i32
        %and3A_523 = vector.broadcast %and3A_522 : i32 to vector<16xi32>
        %and3A_524 = arith.andi %shift_right_logical3A_521, %and3A_523 : vector<16xi32>
        %broadcast_in_dim3A_525 = vector.shape_cast %and3A_524 : vector<16xi32> to vector<16x1xi32>
        %gather3A_526 = vector.shape_cast %broadcast_in_dim3A_525 : vector<16x1xi32> to vector<16xi32>
        %gather3A_527 = tpu.dynamic_gather %div3A[%gather3A_526] in [0] : vector<16xf32>, vector<16xi32> -> vector<16xf32>
        %swap3A_528 = arith.index_cast %scan3A_420 : i32 to index
        %swap3A_529 = arith.constant 80 : index
        %swap3A_530 = tpu.vector_load %arg10[%swap3A_528, %swap3A_529] {strides = array<i32>} : memref<128x128xf32, #tpu.memory_space<vmem>>, vector<1x16xf32>,
        %swap3A_531 = vector.shape_cast %swap3A_530 : vector<1x16xf32> to vector<16xf32>
        %swap3A_532 = vector.shape_cast %gather3A_527 : vector<16xf32> to vector<1x16xf32>
        tpu.vector_store %arg10[%swap3A_528, %swap3A_529], %swap3A_532 {strides = array<i32>} : memref<128x128xf32, #tpu.memory_space<vmem>>, vector<1x16xf32>,
        %add3A_533 = arith.constant 12 : i32
        %add3A_534 = vector.broadcast %add3A_533 : i32 to vector<16xi32>
        %add3A_535 = arith.addi %shift_right_arithmetic3A_9, %add3A_534 : vector<16xi32>
        %broadcast_in_dim3A_536 = vector.shape_cast %add3A_535 : vector<16xi32> to vector<16x1xi32>
        %gather3A_537 = vector.shape_cast %broadcast_in_dim3A_536 : vector<16x1xi32> to vector<16xi32>
        %gather3A_538 = tpu.dynamic_gather %get3A_424[%gather3A_537] in [0] : vector<16xi32>, vector<16xi32> -> vector<16xi32>
        %shift_right_logical3A_539 = arith.shrui %gather3A_538, %add3A_27 : vector<16xi32>
        %and3A_540 = arith.constant 15 : i32
        %and3A_541 = vector.broadcast %and3A_540 : i32 to vector<16xi32>
        %and3A_542 = arith.andi %shift_right_logical3A_539, %and3A_541 : vector<16xi32>
        %broadcast_in_dim3A_543 = vector.shape_cast %and3A_542 : vector<16xi32> to vector<16x1xi32>
        %gather3A_544 = vector.shape_cast %broadcast_in_dim3A_543 : vector<16x1xi32> to vector<16xi32>
        %gather3A_545 = tpu.dynamic_gather %div3A[%gather3A_544] in [0] : vector<16xf32>, vector<16xi32> -> vector<16xf32>
        %swap3A_546 = arith.index_cast %scan3A_420 : i32 to index
        %swap3A_547 = arith.constant 96 : index
        %swap3A_548 = tpu.vector_load %arg10[%swap3A_546, %swap3A_547] {strides = array<i32>} : memref<128x128xf32, #tpu.memory_space<vmem>>, vector<1x16xf32>,
        %swap3A_549 = vector.shape_cast %swap3A_548 : vector<1x16xf32> to vector<16xf32>
        %swap3A_550 = vector.shape_cast %gather3A_545 : vector<16xf32> to vector<1x16xf32>
        tpu.vector_store %arg10[%swap3A_546, %swap3A_547], %swap3A_550 {strides = array<i32>} : memref<128x128xf32, #tpu.memory_space<vmem>>, vector<1x16xf32>,
        %add3A_551 = arith.constant 14 : i32
        %add3A_552 = vector.broadcast %add3A_551 : i32 to vector<16xi32>
        %add3A_553 = arith.addi %shift_right_arithmetic3A_9, %add3A_552 : vector<16xi32>
        %broadcast_in_dim3A_554 = vector.shape_cast %add3A_553 : vector<16xi32> to vector<16x1xi32>
        %gather3A_555 = vector.shape_cast %broadcast_in_dim3A_554 : vector<16x1xi32> to vector<16xi32>
        %gather3A_556 = tpu.dynamic_gather %get3A_424[%gather3A_555] in [0] : vector<16xi32>, vector<16xi32> -> vector<16xi32>
        %shift_right_logical3A_557 = arith.shrui %gather3A_556, %add3A_27 : vector<16xi32>
        %and3A_558 = arith.constant 15 : i32
        %and3A_559 = vector.broadcast %and3A_558 : i32 to vector<16xi32>
        %and3A_560 = arith.andi %shift_right_logical3A_557, %and3A_559 : vector<16xi32>
        %broadcast_in_dim3A_561 = vector.shape_cast %and3A_560 : vector<16xi32> to vector<16x1xi32>
        %gather3A_562 = vector.shape_cast %broadcast_in_dim3A_561 : vector<16x1xi32> to vector<16xi32>
        %gather3A_563 = tpu.dynamic_gather %div3A[%gather3A_562] in [0] : vector<16xf32>, vector<16xi32> -> vector<16xf32>
        %swap3A_564 = arith.index_cast %scan3A_420 : i32 to index
        %swap3A_565 = arith.constant 112 : index
        %swap3A_566 = tpu.vector_load %arg10[%swap3A_564, %swap3A_565] {strides = array<i32>} : memref<128x128xf32, #tpu.memory_space<vmem>>, vector<1x16xf32>,
        %swap3A_567 = vector.shape_cast %swap3A_566 : vector<1x16xf32> to vector<16xf32>
        %swap3A_568 = vector.shape_cast %gather3A_563 : vector<16xf32> to vector<1x16xf32>
        tpu.vector_store %arg10[%swap3A_564, %swap3A_565], %swap3A_568 {strides = array<i32>} : memref<128x128xf32, #tpu.memory_space<vmem>>, vector<1x16xf32>,
        %scan3A_569 = arith.constant 0 : i32
        %scan3A_570 = arith.constant 3 : i32
        %scan3A_571 = arith.addi %scan3A_121, %scan3A_570 : i32
        %get3A_572 = arith.index_cast %scan3A_571 : i32 to index
        %get3A_573 = arith.constant 0 : index
        %get3A_574 = tpu.vector_load %arg8[%get3A_572, %get3A_573] {strides = array<i32>} : memref<128x16xi32, #tpu.memory_space<vmem>>, vector<1x16xi32>,
        %get3A_575 = vector.shape_cast %get3A_574 : vector<1x16xi32> to vector<16xi32>
        %add3A_576 = arith.constant 0 : i32
        %add3A_577 = vector.broadcast %add3A_576 : i32 to vector<16xi32>
        %add3A_578 = arith.addi %shift_right_arithmetic3A_9, %add3A_577 : vector<16xi32>
        %broadcast_in_dim3A_579 = vector.shape_cast %add3A_578 : vector<16xi32> to vector<16x1xi32>
        %gather3A_580 = vector.shape_cast %broadcast_in_dim3A_579 : vector<16x1xi32> to vector<16xi32>
        %gather3A_581 = tpu.dynamic_gather %get3A_575[%gather3A_580] in [0] : vector<16xi32>, vector<16xi32> -> vector<16xi32>
        %shift_right_logical3A_582 = arith.shrui %gather3A_581, %add3A_27 : vector<16xi32>
        %and3A_583 = arith.constant 15 : i32
        %and3A_584 = vector.broadcast %and3A_583 : i32 to vector<16xi32>
        %and3A_585 = arith.andi %shift_right_logical3A_582, %and3A_584 : vector<16xi32>
        %broadcast_in_dim3A_586 = vector.shape_cast %and3A_585 : vector<16xi32> to vector<16x1xi32>
        %gather3A_587 = vector.shape_cast %broadcast_in_dim3A_586 : vector<16x1xi32> to vector<16xi32>
        %gather3A_588 = tpu.dynamic_gather %div3A[%gather3A_587] in [0] : vector<16xf32>, vector<16xi32> -> vector<16xf32>
        %swap3A_589 = arith.index_cast %scan3A_571 : i32 to index
        %swap3A_590 = arith.constant 0 : index
        %swap3A_591 = tpu.vector_load %arg10[%swap3A_589, %swap3A_590] {strides = array<i32>} : memref<128x128xf32, #tpu.memory_space<vmem>>, vector<1x16xf32>,
        %swap3A_592 = vector.shape_cast %swap3A_591 : vector<1x16xf32> to vector<16xf32>
        %swap3A_593 = vector.shape_cast %gather3A_588 : vector<16xf32> to vector<1x16xf32>
        tpu.vector_store %arg10[%swap3A_589, %swap3A_590], %swap3A_593 {strides = array<i32>} : memref<128x128xf32, #tpu.memory_space<vmem>>, vector<1x16xf32>,
        %add3A_594 = arith.constant 2 : i32
        %add3A_595 = vector.broadcast %add3A_594 : i32 to vector<16xi32>
        %add3A_596 = arith.addi %shift_right_arithmetic3A_9, %add3A_595 : vector<16xi32>
        %broadcast_in_dim3A_597 = vector.shape_cast %add3A_596 : vector<16xi32> to vector<16x1xi32>
        %gather3A_598 = vector.shape_cast %broadcast_in_dim3A_597 : vector<16x1xi32> to vector<16xi32>
        %gather3A_599 = tpu.dynamic_gather %get3A_575[%gather3A_598] in [0] : vector<16xi32>, vector<16xi32> -> vector<16xi32>
        %shift_right_logical3A_600 = arith.shrui %gather3A_599, %add3A_27 : vector<16xi32>
        %and3A_601 = arith.constant 15 : i32
        %and3A_602 = vector.broadcast %and3A_601 : i32 to vector<16xi32>
        %and3A_603 = arith.andi %shift_right_logical3A_600, %and3A_602 : vector<16xi32>
        %broadcast_in_dim3A_604 = vector.shape_cast %and3A_603 : vector<16xi32> to vector<16x1xi32>
        %gather3A_605 = vector.shape_cast %broadcast_in_dim3A_604 : vector<16x1xi32> to vector<16xi32>
        %gather3A_606 = tpu.dynamic_gather %div3A[%gather3A_605] in [0] : vector<16xf32>, vector<16xi32> -> vector<16xf32>
        %swap3A_607 = arith.index_cast %scan3A_571 : i32 to index
        %swap3A_608 = arith.constant 16 : index
        %swap3A_609 = tpu.vector_load %arg10[%swap3A_607, %swap3A_608] {strides = array<i32>} : memref<128x128xf32, #tpu.memory_space<vmem>>, vector<1x16xf32>,
        %swap3A_610 = vector.shape_cast %swap3A_609 : vector<1x16xf32> to vector<16xf32>
        %swap3A_611 = vector.shape_cast %gather3A_606 : vector<16xf32> to vector<1x16xf32>
        tpu.vector_store %arg10[%swap3A_607, %swap3A_608], %swap3A_611 {strides = array<i32>} : memref<128x128xf32, #tpu.memory_space<vmem>>, vector<1x16xf32>,
        %add3A_612 = arith.constant 4 : i32
        %add3A_613 = vector.broadcast %add3A_612 : i32 to vector<16xi32>
        %add3A_614 = arith.addi %shift_right_arithmetic3A_9, %add3A_613 : vector<16xi32>
        %broadcast_in_dim3A_615 = vector.shape_cast %add3A_614 : vector<16xi32> to vector<16x1xi32>
        %gather3A_616 = vector.shape_cast %broadcast_in_dim3A_615 : vector<16x1xi32> to vector<16xi32>
        %gather3A_617 = tpu.dynamic_gather %get3A_575[%gather3A_616] in [0] : vector<16xi32>, vector<16xi32> -> vector<16xi32>
        %shift_right_logical3A_618 = arith.shrui %gather3A_617, %add3A_27 : vector<16xi32>
        %and3A_619 = arith.constant 15 : i32
        %and3A_620 = vector.broadcast %and3A_619 : i32 to vector<16xi32>
        %and3A_621 = arith.andi %shift_right_logical3A_618, %and3A_620 : vector<16xi32>
        %broadcast_in_dim3A_622 = vector.shape_cast %and3A_621 : vector<16xi32> to vector<16x1xi32>
        %gather3A_623 = vector.shape_cast %broadcast_in_dim3A_622 : vector<16x1xi32> to vector<16xi32>
        %gather3A_624 = tpu.dynamic_gather %div3A[%gather3A_623] in [0] : vector<16xf32>, vector<16xi32> -> vector<16xf32>
        %swap3A_625 = arith.index_cast %scan3A_571 : i32 to index
        %swap3A_626 = arith.constant 32 : index
        %swap3A_627 = tpu.vector_load %arg10[%swap3A_625, %swap3A_626] {strides = array<i32>} : memref<128x128xf32, #tpu.memory_space<vmem>>, vector<1x16xf32>,
        %swap3A_628 = vector.shape_cast %swap3A_627 : vector<1x16xf32> to vector<16xf32>
        %swap3A_629 = vector.shape_cast %gather3A_624 : vector<16xf32> to vector<1x16xf32>
        tpu.vector_store %arg10[%swap3A_625, %swap3A_626], %swap3A_629 {strides = array<i32>} : memref<128x128xf32, #tpu.memory_space<vmem>>, vector<1x16xf32>,
        %add3A_630 = arith.constant 6 : i32
        %add3A_631 = vector.broadcast %add3A_630 : i32 to vector<16xi32>
        %add3A_632 = arith.addi %shift_right_arithmetic3A_9, %add3A_631 : vector<16xi32>
        %broadcast_in_dim3A_633 = vector.shape_cast %add3A_632 : vector<16xi32> to vector<16x1xi32>
        %gather3A_634 = vector.shape_cast %broadcast_in_dim3A_633 : vector<16x1xi32> to vector<16xi32>
        %gather3A_635 = tpu.dynamic_gather %get3A_575[%gather3A_634] in [0] : vector<16xi32>, vector<16xi32> -> vector<16xi32>
        %shift_right_logical3A_636 = arith.shrui %gather3A_635, %add3A_27 : vector<16xi32>
        %and3A_637 = arith.constant 15 : i32
        %and3A_638 = vector.broadcast %and3A_637 : i32 to vector<16xi32>
        %and3A_639 = arith.andi %shift_right_logical3A_636, %and3A_638 : vector<16xi32>
        %broadcast_in_dim3A_640 = vector.shape_cast %and3A_639 : vector<16xi32> to vector<16x1xi32>
        %gather3A_641 = vector.shape_cast %broadcast_in_dim3A_640 : vector<16x1xi32> to vector<16xi32>
        %gather3A_642 = tpu.dynamic_gather %div3A[%gather3A_641] in [0] : vector<16xf32>, vector<16xi32> -> vector<16xf32>
        %swap3A_643 = arith.index_cast %scan3A_571 : i32 to index
        %swap3A_644 = arith.constant 48 : index
        %swap3A_645 = tpu.vector_load %arg10[%swap3A_643, %swap3A_644] {strides = array<i32>} : memref<128x128xf32, #tpu.memory_space<vmem>>, vector<1x16xf32>,
        %swap3A_646 = vector.shape_cast %swap3A_645 : vector<1x16xf32> to vector<16xf32>
        %swap3A_647 = vector.shape_cast %gather3A_642 : vector<16xf32> to vector<1x16xf32>
        tpu.vector_store %arg10[%swap3A_643, %swap3A_644], %swap3A_647 {strides = array<i32>} : memref<128x128xf32, #tpu.memory_space<vmem>>, vector<1x16xf32>,
        %add3A_648 = arith.constant 8 : i32
        %add3A_649 = vector.broadcast %add3A_648 : i32 to vector<16xi32>
        %add3A_650 = arith.addi %shift_right_arithmetic3A_9, %add3A_649 : vector<16xi32>
        %broadcast_in_dim3A_651 = vector.shape_cast %add3A_650 : vector<16xi32> to vector<16x1xi32>
        %gather3A_652 = vector.shape_cast %broadcast_in_dim3A_651 : vector<16x1xi32> to vector<16xi32>
        %gather3A_653 = tpu.dynamic_gather %get3A_575[%gather3A_652] in [0] : vector<16xi32>, vector<16xi32> -> vector<16xi32>
        %shift_right_logical3A_654 = arith.shrui %gather3A_653, %add3A_27 : vector<16xi32>
        %and3A_655 = arith.constant 15 : i32
        %and3A_656 = vector.broadcast %and3A_655 : i32 to vector<16xi32>
        %and3A_657 = arith.andi %shift_right_logical3A_654, %and3A_656 : vector<16xi32>
        %broadcast_in_dim3A_658 = vector.shape_cast %and3A_657 : vector<16xi32> to vector<16x1xi32>
        %gather3A_659 = vector.shape_cast %broadcast_in_dim3A_658 : vector<16x1xi32> to vector<16xi32>
        %gather3A_660 = tpu.dynamic_gather %div3A[%gather3A_659] in [0] : vector<16xf32>, vector<16xi32> -> vector<16xf32>
        %swap3A_661 = arith.index_cast %scan3A_571 : i32 to index
        %swap3A_662 = arith.constant 64 : index
        %swap3A_663 = tpu.vector_load %arg10[%swap3A_661, %swap3A_662] {strides = array<i32>} : memref<128x128xf32, #tpu.memory_space<vmem>>, vector<1x16xf32>,
        %swap3A_664 = vector.shape_cast %swap3A_663 : vector<1x16xf32> to vector<16xf32>
        %swap3A_665 = vector.shape_cast %gather3A_660 : vector<16xf32> to vector<1x16xf32>
        tpu.vector_store %arg10[%swap3A_661, %swap3A_662], %swap3A_665 {strides = array<i32>} : memref<128x128xf32, #tpu.memory_space<vmem>>, vector<1x16xf32>,
        %add3A_666 = arith.constant 10 : i32
        %add3A_667 = vector.broadcast %add3A_666 : i32 to vector<16xi32>
        %add3A_668 = arith.addi %shift_right_arithmetic3A_9, %add3A_667 : vector<16xi32>
        %broadcast_in_dim3A_669 = vector.shape_cast %add3A_668 : vector<16xi32> to vector<16x1xi32>
        %gather3A_670 = vector.shape_cast %broadcast_in_dim3A_669 : vector<16x1xi32> to vector<16xi32>
        %gather3A_671 = tpu.dynamic_gather %get3A_575[%gather3A_670] in [0] : vector<16xi32>, vector<16xi32> -> vector<16xi32>
        %shift_right_logical3A_672 = arith.shrui %gather3A_671, %add3A_27 : vector<16xi32>
        %and3A_673 = arith.constant 15 : i32
        %and3A_674 = vector.broadcast %and3A_673 : i32 to vector<16xi32>
        %and3A_675 = arith.andi %shift_right_logical3A_672, %and3A_674 : vector<16xi32>
        %broadcast_in_dim3A_676 = vector.shape_cast %and3A_675 : vector<16xi32> to vector<16x1xi32>
        %gather3A_677 = vector.shape_cast %broadcast_in_dim3A_676 : vector<16x1xi32> to vector<16xi32>
        %gather3A_678 = tpu.dynamic_gather %div3A[%gather3A_677] in [0] : vector<16xf32>, vector<16xi32> -> vector<16xf32>
        %swap3A_679 = arith.index_cast %scan3A_571 : i32 to index
        %swap3A_680 = arith.constant 80 : index
        %swap3A_681 = tpu.vector_load %arg10[%swap3A_679, %swap3A_680] {strides = array<i32>} : memref<128x128xf32, #tpu.memory_space<vmem>>, vector<1x16xf32>,
        %swap3A_682 = vector.shape_cast %swap3A_681 : vector<1x16xf32> to vector<16xf32>
        %swap3A_683 = vector.shape_cast %gather3A_678 : vector<16xf32> to vector<1x16xf32>
        tpu.vector_store %arg10[%swap3A_679, %swap3A_680], %swap3A_683 {strides = array<i32>} : memref<128x128xf32, #tpu.memory_space<vmem>>, vector<1x16xf32>,
        %add3A_684 = arith.constant 12 : i32
        %add3A_685 = vector.broadcast %add3A_684 : i32 to vector<16xi32>
        %add3A_686 = arith.addi %shift_right_arithmetic3A_9, %add3A_685 : vector<16xi32>
        %broadcast_in_dim3A_687 = vector.shape_cast %add3A_686 : vector<16xi32> to vector<16x1xi32>
        %gather3A_688 = vector.shape_cast %broadcast_in_dim3A_687 : vector<16x1xi32> to vector<16xi32>
        %gather3A_689 = tpu.dynamic_gather %get3A_575[%gather3A_688] in [0] : vector<16xi32>, vector<16xi32> -> vector<16xi32>
        %shift_right_logical3A_690 = arith.shrui %gather3A_689, %add3A_27 : vector<16xi32>
        %and3A_691 = arith.constant 15 : i32
        %and3A_692 = vector.broadcast %and3A_691 : i32 to vector<16xi32>
        %and3A_693 = arith.andi %shift_right_logical3A_690, %and3A_692 : vector<16xi32>
        %broadcast_in_dim3A_694 = vector.shape_cast %and3A_693 : vector<16xi32> to vector<16x1xi32>
        %gather3A_695 = vector.shape_cast %broadcast_in_dim3A_694 : vector<16x1xi32> to vector<16xi32>
        %gather3A_696 = tpu.dynamic_gather %div3A[%gather3A_695] in [0] : vector<16xf32>, vector<16xi32> -> vector<16xf32>
        %swap3A_697 = arith.index_cast %scan3A_571 : i32 to index
        %swap3A_698 = arith.constant 96 : index
        %swap3A_699 = tpu.vector_load %arg10[%swap3A_697, %swap3A_698] {strides = array<i32>} : memref<128x128xf32, #tpu.memory_space<vmem>>, vector<1x16xf32>,
        %swap3A_700 = vector.shape_cast %swap3A_699 : vector<1x16xf32> to vector<16xf32>
        %swap3A_701 = vector.shape_cast %gather3A_696 : vector<16xf32> to vector<1x16xf32>
        tpu.vector_store %arg10[%swap3A_697, %swap3A_698], %swap3A_701 {strides = array<i32>} : memref<128x128xf32, #tpu.memory_space<vmem>>, vector<1x16xf32>,
        %add3A_702 = arith.constant 14 : i32
        %add3A_703 = vector.broadcast %add3A_702 : i32 to vector<16xi32>
        %add3A_704 = arith.addi %shift_right_arithmetic3A_9, %add3A_703 : vector<16xi32>
        %broadcast_in_dim3A_705 = vector.shape_cast %add3A_704 : vector<16xi32> to vector<16x1xi32>
        %gather3A_706 = vector.shape_cast %broadcast_in_dim3A_705 : vector<16x1xi32> to vector<16xi32>
        %gather3A_707 = tpu.dynamic_gather %get3A_575[%gather3A_706] in [0] : vector<16xi32>, vector<16xi32> -> vector<16xi32>
        %shift_right_logical3A_708 = arith.shrui %gather3A_707, %add3A_27 : vector<16xi32>
        %and3A_709 = arith.constant 15 : i32
        %and3A_710 = vector.broadcast %and3A_709 : i32 to vector<16xi32>
        %and3A_711 = arith.andi %shift_right_logical3A_708, %and3A_710 : vector<16xi32>
        %broadcast_in_dim3A_712 = vector.shape_cast %and3A_711 : vector<16xi32> to vector<16x1xi32>
        %gather3A_713 = vector.shape_cast %broadcast_in_dim3A_712 : vector<16x1xi32> to vector<16xi32>
        %gather3A_714 = tpu.dynamic_gather %div3A[%gather3A_713] in [0] : vector<16xf32>, vector<16xi32> -> vector<16xf32>
        %swap3A_715 = arith.index_cast %scan3A_571 : i32 to index
        %swap3A_716 = arith.constant 112 : index
        %swap3A_717 = tpu.vector_load %arg10[%swap3A_715, %swap3A_716] {strides = array<i32>} : memref<128x128xf32, #tpu.memory_space<vmem>>, vector<1x16xf32>,
        %swap3A_718 = vector.shape_cast %swap3A_717 : vector<1x16xf32> to vector<16xf32>
        %swap3A_719 = vector.shape_cast %gather3A_714 : vector<16xf32> to vector<1x16xf32>
        tpu.vector_store %arg10[%swap3A_715, %swap3A_716], %swap3A_719 {strides = array<i32>} : memref<128x128xf32, #tpu.memory_space<vmem>>, vector<1x16xf32>,
        %scan3A_720 = arith.constant 0 : i32
        scf.yield %scan3A_720 : i32
      }
      %scan3A_112 = arith.constant 128 : i32
      %mul3A_113 = arith.constant 128 : i32
      %mul3A_114 = arith.muli %add3A_87, %mul3A_113 : i32
      %add3A_115 = arith.addi %mul3A_2, %mul3A_114 : i32
      %dma_start3A_116 = arith.constant 0 : i32
      %dma_start3A_117 = tpu.memref_slice %arg5[%add3A_115, %dma_start3A_116] : memref<425984x128xf32, #tpu.memory_space<hbm>> -> memref<128x128xf32, #tpu.memory_space<hbm>>
      %dma_start3A_118 = arith.constant 0 : i32
      %dma_start3A_119 = tpu.memref_slice %arg5[%add3A_115, %dma_start3A_118] : memref<425984x128xf32, #tpu.memory_space<hbm>> -> memref<128x128xf32, #tpu.memory_space<hbm>>
      tpu.enqueue_dma source(%arg10 : memref<128x128xf32, #tpu.memory_space<vmem>>) target(%dma_start3A_119 : memref<128x128xf32, #tpu.memory_space<hbm>>) target_semaphore(%arg15 : memref<!tpu.dma_semaphore, #tpu.memory_space<semaphore_mem>>)
      %scan3A_120 = arith.constant 0 : i32
      scf.yield %scan3A_120 : i32
    }
    %scan3A_37 = arith.constant 52 : i32
    %dma_wait3A = arith.constant 0 : i32
    %dma_wait3A_38 = arith.constant 0 : i32
    %dma_wait3A_39 = tpu.memref_slice %arg5[%dma_wait3A, %dma_wait3A_38] : memref<425984x128xf32, #tpu.memory_space<hbm>> -> memref<128x128xf32, #tpu.memory_space<hbm>>
    %dma_wait3A_40 = arith.constant 0 : i32
    %dma_wait3A_41 = arith.constant 0 : i32
    %dma_wait3A_42 = tpu.memref_slice %arg5[%dma_wait3A_40, %dma_wait3A_41] : memref<425984x128xf32, #tpu.memory_space<hbm>> -> memref<128x128xf32, #tpu.memory_space<hbm>>
    tpu.wait_dma2 semaphore(%arg14 : memref<!tpu.dma_semaphore, #tpu.memory_space<semaphore_mem>>) src(%arg9 : memref<128x128xf32, #tpu.memory_space<vmem>>) dst(%dma_wait3A_42 : memref<128x128xf32, #tpu.memory_space<hbm>>)
    %dma_wait3A_43 = arith.constant 0 : i32
    %dma_wait3A_44 = arith.constant 0 : i32
    %dma_wait3A_45 = tpu.memref_slice %arg5[%dma_wait3A_43, %dma_wait3A_44] : memref<425984x128xf32, #tpu.memory_space<hbm>> -> memref<128x128xf32, #tpu.memory_space<hbm>>
    %dma_wait3A_46 = arith.constant 0 : i32
    %dma_wait3A_47 = arith.constant 0 : i32
    %dma_wait3A_48 = tpu.memref_slice %arg5[%dma_wait3A_46, %dma_wait3A_47] : memref<425984x128xf32, #tpu.memory_space<hbm>> -> memref<128x128xf32, #tpu.memory_space<hbm>>
    tpu.wait_dma2 semaphore(%arg15 : memref<!tpu.dma_semaphore, #tpu.memory_space<semaphore_mem>>) src(%arg10 : memref<128x128xf32, #tpu.memory_space<vmem>>) dst(%dma_wait3A_48 : memref<128x128xf32, #tpu.memory_space<hbm>>)
    return
  }
}

</mosaic_0001>

<sc_bundles>
// kernel: kernel.3.cloned.1.call-start
scs
__scs_entry_jumppad:
0x0: {  	(pc) =	sbr.rel $0x88, $3  }
0x1: {  	(tag) =	ssettag $0x0;
	lr =	simm.s32 $0x1  }
0x2: {  	[smem:$0x3F9E] =	sst lr;
	_ =	strace $0xD0000000  }
0x3: {  	_ = 	snop  }
0x4: {  	_ = 	snop  }
0x5: {  	_ = 	snop  }
0x6: {  	_ = 	snop  }
0x7: {  	_ = 	snop  }
__scs_overlays_trampoline_lowered:
0x8: {  	[smem:$0x3FAD] =	sst s0  }
0x9: {  	[smem:$0x3FAE] =	sst s1  }
0xa: {  	[smem:$0x3FAF] =	sst s2  }
0xb: {  	[smem:$0x3FB0] =	sst s3  }
0xc: {  	[smem:$0x3FB1] =	sst s4  }
0xd: {  	[smem:$0x3FB2] =	sst s5  }
0xe: {  	[smem:$0x3FB3] =	sst s6  }
0xf: {  	[smem:$0x3FB4] =	sst s7  }
0x10: {  	[smem:$0x3FB5] =	sst s8  }
0x11: {  	[smem:$0x3FB6] =	sst s9;
	s0 =	simm.s32 @!p0 $0x0  }
0x12: {  	s1 =	sld [smem:$0x3F9C];
	s0 =	simm.s32 @p0 $0x1  }
0x13: {  	[smem:$0x3FB7] =	sst s0;
	s0 =	simm.s32 @!p1 $0x0  }
0x14: {  	s2 =	sld [smem:$0x3F9B];
	s0 =	simm.s32 @p1 $0x1  }
0x15: {  	[smem:$0x3FB8] =	sst s0;
	s0 =	simm.s32 @!p2 $0x0  }
0x16: {  	s3 =	sld [smem:$0x3FDB];
	s0 =	simm.s32 @p2 $0x1  }
0x17: {  	s4 =	simm.s32 $0x1BF5;
	[smem:$0x3FBA] =	sst s0  }
0x18: {  	s0 =	sld [smem:$0x3F9D];
	_ =	swait.ge [sflag:s4], $0x0  }
0x19: {  	s7 =	sld [smem:$0x3F9E]  }
0x1a: {  	s8 =	sadd.s32 $0xFFFFE003, lr  }
0x1b: {  	s9 =	sadd.s32 $0xFFFFFEF7, lr;
	s5 =	simm.s32 $0xFFFFFFFF;
	p2 =	slt.u32 s8, $0xFFFFF086  }
0x1c: {  	p1 =	slt.u32 s9, $0xF7A;
	s5 =	simm.s32 @!p2 $0x0  }
0x1d: {  	s5 =	simm.s32 @p1 $0x1;
	p0 =	seq.s32 s7, s2  }
0x1e: {  	s7 =	smul.u32 @!p0 $0xF7A, s2;
	p2 =	seq.s32 @!p0 s5, $0x0  }
0x1f: {  	s9 =	smul.u32 $0xF7A, s1;
	s8 =	simm.s32 @!p0 $0x1BF5;
	p2 =	por !p2, p0  }
0x20: {  	[sflag:s8] =	ssyncset.s32 @!p0 $0xFFFFF086;
	s6 =	sadd.s32 @!p0 s3, s7;
	s7 =	simm.s32 @!p0 $0x108  }
0x21: {  	s3 =	sadd.s32 s3, s9;
	s6 =	sadd.s32 @!p0 $0x88, s6;
	s7 =	simm.s32 @p2 $0x1082  }
0x22: {  	[simem:s7], [sflag:s8] =	dma.local @!p0 [hbm:s6], $0xF7A  }
0x23: {  	s9 =	sor.u32 $0xD0000000, s2;
	s6 =	simm.s32 $0x108;
	_ =	swait.ge @!p0 [sflag:s8], $0x0  }
0x24: {  	s3 =	sadd.s32 $0x88, s3;
	s6 =	simm.s32 @!p1 $0x1082;
	[sflag:s4] =	ssyncset.s32 $0xFFFFF086  }
0x25: {  	[simem:s6], [sflag:s4] =	dma.local [hbm:s3], $0xF7A  }
0x26: {  	[smem:$0x3F9E] =	sst s1;
	(tag) =	ssettag s2;
	_ =	strace s9  }
0x27: {  	s1 =	sld [smem:$0x3FAE]  }
0x28: {  	s2 =	sld [smem:$0x3FAF]  }
0x29: {  	s4 =	sld [smem:$0x3FB1]  }
0x2a: {  	p0 =	seq.s32 s5, $0x0;
	s5 =	sld [smem:$0x3FB2]  }
0x2b: {  	s6 =	sld [smem:$0x3FB3]  }
0x2c: {  	s7 =	sld [smem:$0x3FB4]  }
0x2d: {  	s3 =	simm.s32 $0x108;
	s8 =	sld [smem:$0x3FB5]  }
0x2e: {  	s3 =	simm.s32 @!p0 $0x1082;
	s9 =	sld [smem:$0x3FB6]  }
0x2f: {  	lr =	sadd.s32 s0, s3;
	s0 =	sld [smem:$0x3FAD]  }
0x30: {  	s3 =	sld [smem:$0x3FB0]  }
0x31: {  	[smem:$0x3FB9] =	sst s10  }
0x32: {  	s10 =	sld [smem:$0x3FB7];
	_ =	sdelay $0x3  }
0x33: {  	p0 =	seq.s32 s10, $0x1;
	s10 =	sld [smem:$0x3FB9];
	_ =	sdelay $0x3  }
0x34: {  	[smem:$0x3FB9] =	sst s10  }
0x35: {  	s10 =	sld [smem:$0x3FB8];
	_ =	sdelay $0x3  }
0x36: {  	p1 =	seq.s32 s10, $0x1;
	s10 =	sld [smem:$0x3FB9];
	_ =	sdelay $0x3  }
0x37: {  	[smem:$0x3FB9] =	sst s10  }
0x38: {  	s10 =	sld [smem:$0x3FBA]  }
0x39: {  	_ = 	snop;
	(pc) =	sbr.ind lr, $3  }
0x3a: {  	_ = 	snop  }
0x3b: {  	_ = 	snop  }
0x3c: {  	p2 =	seq.s32 s10, $0x1;
	s10 =	sld [smem:$0x3FB9]  }
0x3d: {  	_ =	shalt  }
0x3e: {  	_ =	shalt  }
0x3f: {  	_ =	shalt  }
0x40: {  	_ =	shalt  }
0x41: {  	_ =	shalt  }
0x42: {  	_ =	shalt  }
0x43: {  	_ =	shalt  }
0x44: {  	_ =	shalt  }
0x45: {  	_ =	shalt  }
0x46: {  	_ =	shalt  }
0x47: {  	_ =	shalt  }
0x48: {  	_ =	shalt  }
0x49: {  	_ =	shalt  }
0x4a: {  	_ =	shalt  }
0x4b: {  	_ =	shalt  }
0x4c: {  	_ =	shalt  }
0x4d: {  	_ =	shalt  }
0x4e: {  	_ =	shalt  }
0x4f: {  	_ =	shalt  }
0x50: {  	_ =	shalt  }
0x51: {  	_ =	shalt  }
0x52: {  	_ =	shalt  }
0x53: {  	_ =	shalt  }
0x54: {  	_ =	shalt  }
0x55: {  	_ =	shalt  }
0x56: {  	_ =	shalt  }
0x57: {  	_ =	shalt  }
0x58: {  	_ =	shalt  }
0x59: {  	_ =	shalt  }
0x5a: {  	_ =	shalt  }
0x5b: {  	_ =	shalt  }
0x5c: {  	_ =	shalt  }
0x5d: {  	_ =	shalt  }
0x5e: {  	_ =	shalt  }
0x5f: {  	_ =	shalt  }
0x60: {  	_ =	shalt  }
0x61: {  	_ =	shalt  }
0x62: {  	_ =	shalt  }
0x63: {  	_ =	shalt  }
0x64: {  	_ =	shalt  }
0x65: {  	_ =	shalt  }
0x66: {  	_ =	shalt  }
0x67: {  	_ =	shalt  }
0x68: {  	_ =	shalt  }
0x69: {  	_ =	shalt  }
0x6a: {  	_ =	shalt  }
0x6b: {  	_ =	shalt  }
0x6c: {  	_ =	shalt  }
0x6d: {  	_ =	shalt  }
0x6e: {  	_ =	shalt  }
0x6f: {  	_ =	shalt  }
0x70: {  	_ =	shalt  }
0x71: {  	_ =	shalt  }
0x72: {  	_ =	shalt  }
0x73: {  	_ =	shalt  }
0x74: {  	_ =	shalt  }
0x75: {  	_ =	shalt  }
0x76: {  	_ =	shalt  }
0x77: {  	_ =	shalt  }
0x78: {  	_ =	shalt  }
0x79: {  	_ =	shalt  }
0x7a: {  	_ =	shalt  }
0x7b: {  	_ =	shalt  }
0x7c: {  	_ =	shalt  }
0x7d: {  	_ =	shalt  }
0x7e: {  	_ =	shalt  }
0x7f: {  	_ =	shalt  }
0x80: {  	_ =	shalt  }
0x81: {  	_ =	shalt  }
0x82: {  	_ =	shalt  }
0x83: {  	_ =	shalt  }
0x84: {  	_ =	shalt  }
0x85: {  	_ =	shalt  }
0x86: {  	_ =	shalt  }
0x87: {  	_ =	shalt  }
.Lfunc_end0:
.L_simem_size_0:
called_computation_lowered:
.L_overlay_start_0:
0x88: {  	s2 =	sld [smem:$0x3FD9]  }
0x89: {  	s3 =	sld [smem:$0x3FFE];
	_ =	sdelay $0x1  }
0x8a: {  	s1 =	srdreg.scid  }
0x8b: {  	s0 =	sand.u32 $0x1, s1  }
0x8c: {  	s17 =	sshll.u32 s0, $0xA;
	s2 =	sadd.s32 s3, s2  }
0x8d: {  	s2 =	sadd.s32 s2, s17  }
0x8e: {  	[smem:$0x3FC5] =	sst s2  }
0x8f: {  	_ = 	snop  }
0x90: {  	s2 =	sld [smem:$0x3FD0];
	(tm) =	ssettm $0x1  }
0x91: {  	s18 =	sld [smem:$0x3FFB];
	_ =	sdelay $0x3  }
0x92: {  	_ =	strace s18  }
0x93: {  	s3 =	sld [smem:$0x3FFC];
	_ =	sdelay $0x3  }
0x94: {  	_ =	strace s3  }
0x95: {  	s3 =	sld [smem:$0x3FFD];
	_ =	sdelay $0x3  }
0x96: {  	_ =	strace s3  }
0x97: {  	_ =	strace $0x8FFFFFFF  }
0x98: {  	s19 =	sld [smem:$0x3FDB];
	_ =	sdelay $0x1  }
0x99: {  	s4 =	simm.s32 $_scs_section_size  }
0x9a: {  	s5 =	simm.s32 $_size__tile_overlayer_lowered;
	s6 =	simm.s32 $_tile_overlayer_lowered  }
0x9b: {  	s22 =	simm.s32 $0x1BFF;
	s21 =	sshll.u32 s6, $0x1;
	s3 =	sadd.s32 s4, s19  }
0x9c: {  	s7 =	simm.s32 $0x0;
	s20 =	sshll.u32 s5, $0x1;
	s5 =	sadd.s32 s21, s3  }
0x9d: {  	[timem:s7], [sflag:s22] =	dma.local [hbm:s5], s20  }
0x9e: {  	_ =	swait.ge [sflag:s22], s20  }
0x9f: {  	s4 =	ssub.s32 $0x0, s20;
	[sflag:s22] =	ssyncset.done $0x0  }
0xa0: {  	[sflag:s22] =	ssyncadd.s32 s4;
	_ =	sdelay $0x1  }
0xa1: {  	s23 =	simm.s32 $0x1B8B  }
0xa2: {  	_ =	swait.ge [sflag:s23], $0x1  }
0xa3: {  	[sflag:s23] =	ssyncset.done $0x0  }
0xa4: {  	s25 =	simm.s32 $0x1B8E;
	s24 =	sld [smem:$0x3FFE];
	[sflag:s23] =	ssyncadd.s32 $0xFFFFFFFF  }
0xa5: {  	s26 =	simm.s32 $execute0_lowered;
	[smem:$0x3FD2] =	sst s25  }
0xa6: {  	s5 =	sshll.u32 s26, $0x1;
	_ =	strace $0x80000046;
	[dreg:$0x1] =	wrdreg $0xFFFFFFFF  }
0xa7: {  	s28 =	simm.s32 $_size_execute0_lowered;
	s3 =	sadd.s32 s3, s5;
	[dreg:$0x0] =	wrdreg $0x0  }
0xa8: {  	s5 =	sshll.u32 s28, $0x1;
	[dreg:$0x2] =	wrdreg s3  }
0xa9: {  	[dreg:$0x3] =	wrdreg s5  }
0xaa: {  	[dreg:$0x4] =	wrdreg $0xC0  }
0xab: {  	_ =	task [dreg:s7], $0x5FFFF  }
0xac: {  	[dreg:$0x1] =	wrdreg $0xFFFFFFFF  }
0xad: {  	[dreg:$0x0] =	wrdreg $0x60  }
0xae: {  	[dreg:$0x2] =	wrdreg s24  }
0xaf: {  	[dreg:$0x3] =	wrdreg s2  }
0xb0: {  	[dreg:$0x4] =	wrdreg $0x9  }
0xb1: {  	_ =	task.clear_ibuf [dreg:s7], $0x5FFFF;
	_ =	strace $0x90000046  }
0xb2: {  	s29 =	simm.s32 $0x9;
	_ =	strace $0x80000048  }
0xb3: {  	_ =	swait.ge [sflag:s29], $0x1  }
0xb4: {  	[sflag:s29] =	ssyncadd.s32 $0xFFFFFFFF  }
0xb5: {  	_ =	strace $0x90000048  }
0xb6: {  	_ =	sfence  }
0xb7: {  	s30 =	sld [smem:$0x0];
	_ =	sdelay $0x2  }
0xb8: {  	s31 =	sshll.u32 s1, $0xD;
	s1 =	sshrl.u32 s1, $0x2  }
0xb9: {  	s3 =	sand.u32 $0x4000, s31;
	s1 =	sadd.s32 s1, s30  }
0xba: {  	s0 =	sor.u32 s3, s0;
	s1 =	sshll.u32 s1, $0x11  }
0xbb: {  	s0 =	sor.u32 s1, s0  }
0xbc: {  	s0 =	sadd.s32 $0x8F2B, s0  }
0xbd: {  	[sflag:s0] =	ssyncadd.remote.s32 $0x1  }
0xbe: {  	_ =	sfence.sel $0xFFFF  }
0xbf: {  	[dreg:$0x0] =	wrdreg $0xFFFFFFFF;
	(pc) =	sbr.abs _section_cstart, $3  }
0xc0: {  	[dreg:$0x1] =	wrdreg $0xFFFFFFFF  }
0xc1: {  	_ =	task.clear_ibuf [dreg:s7], $0x2FFFF;
	_ =	strace $0x9FFFFFFF  }
0xc2: {  	(tm) =	ssettm $0x7FFFFFFF  }
0xc3: {  	_ =	shalt  }
tec
execute0_lowered:
.L_overlay_start_1:
0x0: {  	(tag) =	ssettag $0x1  }
0x1: {  	v0 =	vimm.f32 $8.000000000e+00;
	vm0 =	vcmask $0x300  }
0x2: {  	vm13 =	vcmask $0x704;
	v0 =	vsel vm0, $0xC0E00000, v0  }
0x3: {  	vm14 =	vcmask $0xB08;
	v0 =	vsel vm13, $0xC0C00000, v0  }
0x4: {  	vm15 =	vcmask $0xF0C;
	v0 =	vsel vm14, $0xC0A00000, v0  }
0x5: {  	vm4 =	vcmask $0x1310;
	v0 =	vsel vm15, $0xC0800000, v0  }
0x6: {  	vm5 =	vcmask $0x1714;
	v0 =	vsel vm4, $0xC0400000, v0  }
0x7: {  	vm6 =	vcmask $0x1B18;
	v0 =	vsel vm5, $0xC0000000, v0  }
0x8: {  	s6 =	rddreg [dreg:$0x0];
	vm7 =	vcmask $0x1F1C;
	v0 =	vsel vm6, $0xBF800000, v0  }
0x9: {  	s1 =	rddreg [dreg:$0x1];
	vm8 =	vcmask $0x2320;
	v0 =	vsel vm7, $0x0, v0  }
0xa: {  	s0 =	rddreg [dreg:$0x2];
	vm9 =	vcmask $0x2724;
	s3 =	simm.s32 $0x0;
	s4 =	srdreg.scid;
	v0 =	vsel vm8, $0x3F800000, v0  }
0xb: {  	s2 =	stileid.u32;
	vm10 =	vcmask $0x2B28;
	vm11 =	vcmask $0x2F2C;
	s11 =	simm.s32 $0x80;
	s12 =	simm.s32 $0x3400;
	v0 =	vsel vm9, $0x40000000, v0  }
0xc: {  	vm12 =	vcmask $0x3330;
	v1 =	vimm.s32 $0x80C0004;
	s13 =	simm.s32 $0x3C00;
	s14 =	simm.s32 $0x1;
	s15 =	simm.s32 $0x4400;
	v0 =	vsel vm10, $0x40400000, v0  }
0xd: {  	v2 =	vimm.s32 $0x181C1014;
	s16 =	simm.s32 $0x2;
	s17 =	simm.s32 $0x4;
	s18 =	simm.s32 $0x8400;
	v1 =	vunpack.c.0.s8.s32 v1;
	v0 =	vsel vm11, $0x40800000, v0  }
0xe: {  	s19 =	simm.s32 $0x3;
	s4 =	sand.u32 $0x1, s4;
	s5 =	sshll.u32 s2, $0x1;
	v2 =	vunpack.c.0.s8.s32 v2;
	vm13 =	vcmask $0x3734;
	v0 =	vsel vm12, $0x40A00000, v0  }
0xf: {  	s20 =	simm.s32 $0x0;
	[smem:$0x7FF] =	sst s3;
	s8 =	sor.u32 s4, s5;
	vm14 =	vcmask $0x1F10;
	v3 =	vsel vm13, $0x40C00000, v0;
	v0 =	vlaneseq.u32  }
0x10: {  	_ =	strace $0x80000047;
	s7 =	ssub.s32 $0x2, s4;
	s10 =	smul.u32 $0x680, s8;
	v2 =	vsel vm14, v2, v1;
	vm15 =	vcmask $0x3B38;
	v0 =	vshrl.u32 v0, $0x3  }
0x11: {  	s4 =	sadd.s32 $0xD000, s6;
	s5 =	sadd.s32 $0x3DE00, s6;
	s9 =	sshrl.u32 s7, $0x1;
	v2 =	vcombine.low v2, v2;
	v1 =	vsel vm15, $0x40E00000, v3;
	v3 =	vor.u32 $0x2, v0  }
0x12: {  	s9 =	ssub.s32 s7, s9;
	s7 =	smul.u32 $0x1A0000, s8;
	s6 =	sadd.s32 s6, s10;
	v4 =	vor.u32 $0x4, v0;
	v5 =	vor.u32 $0x6, v0;
	v6 =	vor.u32 $0x8, v0  }
0x13: {  	s8 =	smax.u32 s9, $0x1;
	s9 =	simm.s32 $0x5;
	s10 =	simm.s32 $0xC400;
	v7 =	vor.u32 $0xA, v0;
	v8 =	vor.u32 $0xC, v0;
	v9 =	vor.u32 $0xE, v0  }
.LBB2_1:
0x14: {  	[tilespmem:s3], [sflag:$0x5] =	stream.linear.gather [hbm4b:s6+s3], $0x3400, $0x38;
	[tilespmem:$0xC410] =	vst v63  }
0x15: {  	_ =	swait.ge [sflag:s9], $0x3400  }
0x16: {  	[sflag:s9] =	ssyncset.done $0x0  }
0x17: {  	[sflag:s9] =	ssyncadd.s32 $0xFFFFCC00  }
0x18: {  	[tilespmem:s10], [sflag:$0x5] =	stream.linear.gather [hbm4b:s5+s3], $0x10, $0x38;
	[tilespmem:$0xC410] =	vst v63  }
0x19: {  	_ =	swait.ge [sflag:s9], $0x10  }
0x1a: {  	[sflag:s9] =	ssyncset.done $0x0  }
0x1b: {  	[sflag:s9] =	ssyncadd.s32 $0xFFFFFFF0  }
0x1c: {  	v10 =	vld [tilespmem:$0xC400];
	_ =	sdelay $0x4  }
0x1d: {  	(erf) = vrcp.f32 v10;
	_ =	sdelay $0x8  }
0x1e: {  	s21 =	simm.s32 $0x0;
	v10 =	vpop (erf)  }
0x1f: {  	[tilespmem:s12], [sflag:$0x1] =	stream.indirect.gather [hbm4b:s4+s11], $0x10, s3, s11, $0xb8;
	v10 =	vmul.f32 v1, v10;
	[tilespmem:$0xC410] =	vst v63  }
.LBB2_2:
0x20: {  	s22 =	sshllo.u32 s21, $0x1  }
0x21: {  	s23 =	sshll.u32 s22, $0x7  }
0x22: {  	s23 =	sand.u32 $0x3FFFFF80, s23  }
0x23: {  	[tilespmem:s13], [sflag:$0x2] =	stream.indirect.gather [hbm4b:s4+s11], $0x10, s23, s11, $0xb8;
	[tilespmem:$0xC410] =	vst v63  }
0x24: {  	_ =	swait.ge [sflag:s14], $0x800  }
0x25: {  	p0 =	seq.s32 s21, $0x0;
	[sflag:s14] =	ssyncset.done $0x0  }
0x26: {  	s23 =	simm.s32 @!p0 $0x3;
	[sflag:s14] =	ssyncadd.s32 $0xFFFFF800  }
0x27: {  	_ =	swait.ge @!p0 [sflag:s23], $0x4000  }
0x28: {  	s24 =	simm.s32 $0x3420;
	[sflag:s23] =	ssyncset.done @!p0 $0x0  }
0x29: {  	s25 =	simm.s32 $0x4500;
	[sflag:s23] =	ssyncadd.s32 @!p0 $0xFFFFC000;
	s23 =	simm.s32 $0xFFFFFFFC  }
.LBB2_3:
0x2a: {  	v11 =	vld [tilespmem:s24+$0xFFFFFFE0];
	_ =	sdelay $0x4  }
0x2b: {  	v12 =	vperm.xlane v11, v0  }
0x2c: {  	v13 =	vperm.xlane v11, v3  }
0x2d: {  	v14 =	vperm.xlane v11, v4;
	v12 =	vshrl.u32 v12, v2  }
0x2e: {  	v15 =	vperm.xlane v11, v5;
	v13 =	vshrl.u32 v13, v2;
	v12 =	vperm.xlane v10, v12  }
0x2f: {  	v16 =	vperm.xlane v11, v6;
	v14 =	vshrl.u32 v14, v2;
	v13 =	vperm.xlane v10, v13  }
0x30: {  	v51 =	vperm.xlane v11, v7;
	v50 =	vshrl.u32 v15, v2;
	v49 =	vperm.xlane v10, v14;
	[tilespmem:s25+$0xFFFFFF00] =	vst v12  }
0x31: {  	v54 =	vperm.xlane v11, v8;
	v53 =	vshrl.u32 v16, v2;
	v52 =	vperm.xlane v10, v50;
	[tilespmem:s25+$0xFFFFFF10] =	vst v13  }
0x32: {  	v11 =	vperm.xlane v11, v9;
	v56 =	vshrl.u32 v51, v2;
	v55 =	vperm.xlane v10, v53;
	[tilespmem:s25+$0xFFFFFF20] =	vst v49  }
0x33: {  	v58 =	vshrl.u32 v54, v2;
	v57 =	vperm.xlane v10, v56;
	[tilespmem:s25+$0xFFFFFF30] =	vst v52  }
0x34: {  	v11 =	vshrl.u32 v11, v2;
	v59 =	vperm.xlane v10, v58;
	[tilespmem:s25+$0xFFFFFF40] =	vst v55  }
0x35: {  	v11 =	vperm.xlane v10, v11;
	[tilespmem:s25+$0xFFFFFF50] =	vst v57  }
0x36: {  	[tilespmem:s25+$0xFFFFFF60] =	vst v59  }
0x37: {  	[tilespmem:s25+$0xFFFFFF70] =	vst v11  }
0x38: {  	v11 =	vld [tilespmem:s24+$0xFFFFFFF0];
	_ =	sdelay $0x4  }
0x39: {  	v60 =	vperm.xlane v11, v0  }
0x3a: {  	v61 =	vperm.xlane v11, v3  }
0x3b: {  	v62 =	vperm.xlane v11, v4;
	v12 =	vshrl.u32 v60, v2  }
0x3c: {  	v63 =	vperm.xlane v11, v5;
	v13 =	vshrl.u32 v61, v2;
	v12 =	vperm.xlane v10, v12  }
0x3d: {  	v20 =	vperm.xlane v11, v6;
	v14 =	vshrl.u32 v62, v2;
	v13 =	vperm.xlane v10, v13  }
0x3e: {  	v23 =	vperm.xlane v11, v7;
	v22 =	vshrl.u32 v63, v2;
	v21 =	vperm.xlane v10, v14;
	[tilespmem:s25+$0xFFFFFF80] =	vst v12  }
0x3f: {  	v26 =	vperm.xlane v11, v8;
	v25 =	vshrl.u32 v20, v2;
	v24 =	vperm.xlane v10, v22;
	[tilespmem:s25+$0xFFFFFF90] =	vst v13  }
0x40: {  	v11 =	vperm.xlane v11, v9;
	v28 =	vshrl.u32 v23, v2;
	v27 =	vperm.xlane v10, v25;
	[tilespmem:s25+$0xFFFFFFA0] =	vst v21  }
0x41: {  	v30 =	vshrl.u32 v26, v2;
	v29 =	vperm.xlane v10, v28;
	[tilespmem:s25+$0xFFFFFFB0] =	vst v24  }
0x42: {  	v11 =	vshrl.u32 v11, v2;
	v31 =	vperm.xlane v10, v30;
	[tilespmem:s25+$0xFFFFFFC0] =	vst v27  }
0x43: {  	v11 =	vperm.xlane v10, v11;
	[tilespmem:s25+$0xFFFFFFD0] =	vst v29  }
0x44: {  	[tilespmem:s25+$0xFFFFFFE0] =	vst v31  }
0x45: {  	[tilespmem:s25+$0xFFFFFFF0] =	vst v11  }
0x46: {  	v11 =	vld [tilespmem:s24+$0x0];
	_ =	sdelay $0x4  }
0x47: {  	v32 =	vperm.xlane v11, v0  }
0x48: {  	v33 =	vperm.xlane v11, v3  }
0x49: {  	v34 =	vperm.xlane v11, v4;
	v12 =	vshrl.u32 v32, v2  }
0x4a: {  	v35 =	vperm.xlane v11, v5;
	v13 =	vshrl.u32 v33, v2;
	v12 =	vperm.xlane v10, v12  }
0x4b: {  	v36 =	vperm.xlane v11, v6;
	v14 =	vshrl.u32 v34, v2;
	v13 =	vperm.xlane v10, v13  }
0x4c: {  	v39 =	vperm.xlane v11, v7;
	v38 =	vshrl.u32 v35, v2;
	v37 =	vperm.xlane v10, v14;
	[tilespmem:s25+$0x0] =	vst v12  }
0x4d: {  	v42 =	vperm.xlane v11, v8;
	v41 =	vshrl.u32 v36, v2;
	v40 =	vperm.xlane v10, v38;
	[tilespmem:s25+$0x10] =	vst v13  }
0x4e: {  	v11 =	vperm.xlane v11, v9;
	v44 =	vshrl.u32 v39, v2;
	v43 =	vperm.xlane v10, v41;
	[tilespmem:s25+$0x20] =	vst v37  }
0x4f: {  	v46 =	vshrl.u32 v42, v2;
	v45 =	vperm.xlane v10, v44;
	[tilespmem:s25+$0x30] =	vst v40  }
0x50: {  	v11 =	vshrl.u32 v11, v2;
	v47 =	vperm.xlane v10, v46;
	[tilespmem:s25+$0x40] =	vst v43  }
0x51: {  	v11 =	vperm.xlane v10, v11;
	[tilespmem:s25+$0x50] =	vst v45  }
0x52: {  	[tilespmem:s25+$0x60] =	vst v47  }
0x53: {  	[tilespmem:s25+$0x70] =	vst v11  }
0x54: {  	v11 =	vld [tilespmem:s24+$0x10];
	_ =	sdelay $0x4  }
0x55: {  	v48 =	vperm.xlane v11, v0  }
0x56: {  	v49 =	vperm.xlane v11, v3  }
0x57: {  	v50 =	vperm.xlane v11, v4;
	v12 =	vshrl.u32 v48, v2  }
0x58: {  	v51 =	vperm.xlane v11, v5;
	v13 =	vshrl.u32 v49, v2;
	v12 =	vperm.xlane v10, v12  }
0x59: {  	v52 =	vperm.xlane v11, v6;
	v14 =	vshrl.u32 v50, v2;
	v13 =	vperm.xlane v10, v13  }
0x5a: {  	v55 =	vperm.xlane v11, v7;
	v54 =	vshrl.u32 v51, v2;
	v53 =	vperm.xlane v10, v14;
	[tilespmem:s25+$0x80] =	vst v12  }
0x5b: {  	s23 =	sadd.s32 $0x4, s23;
	v58 =	vperm.xlane v11, v8;
	v57 =	vshrl.u32 v52, v2;
	v56 =	vperm.xlane v10, v54;
	[tilespmem:s25+$0x90] =	vst v13  }
0x5c: {  	p1 =	slt.u32 s23, $0x7C;
	v11 =	vperm.xlane v11, v9;
	v60 =	vshrl.u32 v55, v2;
	v59 =	vperm.xlane v10, v57;
	[tilespmem:s25+$0xA0] =	vst v53  }
.Ltmp0:
0x5d: {  	v62 =	vshrl.u32 v58, v2;
	v61 =	vperm.xlane v10, v60;
	[tilespmem:s25+$0xB0] =	vst v56;
	(pc) =	sbr.rel @p1 .LBB2_3-.Ltmp0, $4  }
0x5e: {  	v11 =	vshrl.u32 v11, v2;
	v63 =	vperm.xlane v10, v62;
	[tilespmem:s25+$0xC0] =	vst v59  }
0x5f: {  	v11 =	vperm.xlane v10, v11;
	[tilespmem:s25+$0xD0] =	vst v61  }
0x60: {  	[tilespmem:s25+$0xE0] =	vst v63  }
0x61: {  	s24 =	sadd.s32 $0x40, s24;
	[tilespmem:s25+$0xF0] =	vst v11;
	s25 =	sadd.s32 $0x200, s25  }
0x62: {  	p1 =	sne.s32 s21, $0x33  }
.Ltmp1:
0x63: {  	s23 =	sshll.u32 s21, $0xF;
	(pc) =	sbr.rel @p1 .LBB2_6-.Ltmp1, $4  }
0x64: {  	s23 =	sadd.s32 s7, s23  }
0x65: {  	s23 =	sshrl.u32 s23, $0x3  }
0x66: {  	s23 =	sadd.s32 s1, s23  }
0x67: {  	[hbm4b:s23+s3] =	stream.linear.scatter [tilespmem:s15], [sflag:$0x3], $0x4000, $0x38;
	[tilespmem:$0xC410] =	vst v63  }
.Ltmp2:
0x68: {  	(pc) =	sbr.rel .LBB2_7-.Ltmp2, $4  }
0x69: {  	_ = 	snop  }
0x6a: {  	_ =	swait.ge [sflag:s16], $0x800  }
0x6b: {  	[sflag:s16] =	ssyncset.done $0x0  }
0x6c: {  	[sflag:s16] =	ssyncadd.s32 $0xFFFFF800  }
.LBB2_6:
0x6d: {  	s23 =	sshll.u32 s21, $0x8  }
0x6e: {  	s23 =	sand.u32 $0x3FFFFF00, s23  }
.Ltmp3:
0x6f: {  	s23 =	sadd.s32 $0x100, s23;
	(pc) =	sbr.rel @p0 .LBB2_8-.Ltmp3, $4  }
0x70: {  	[tilespmem:s12], [sflag:$0x1] =	stream.indirect.gather [hbm4b:s4+s11], $0x10, s23, s11, $0xb8;
	[tilespmem:$0xC410] =	vst v63  }
0x71: {  	_ =	swait.ge [sflag:s16], $0x800  }
0x72: {  	[sflag:s16] =	ssyncset.done $0x0  }
0x73: {  	[sflag:s16] =	ssyncadd.s32 $0xFFFFF800  }
.LBB2_7:
0x74: {  	_ =	swait.ge [sflag:s17], $0x4000  }
0x75: {  	[sflag:s17] =	ssyncset.done $0x0  }
0x76: {  	[sflag:s17] =	ssyncadd.s32 $0xFFFFC000  }
.LBB2_8:
0x77: {  	s23 =	simm.s32 $0xFFFFFFFC;
	s24 =	simm.s32 $0x3C20;
	s25 =	simm.s32 $0x8500  }
.LBB2_9:
0x78: {  	v11 =	vld [tilespmem:s24+$0xFFFFFFE0];
	_ =	sdelay $0x4  }
0x79: {  	v12 =	vperm.xlane v11, v0  }
0x7a: {  	v13 =	vperm.xlane v11, v3  }
0x7b: {  	v14 =	vperm.xlane v11, v4;
	v12 =	vshrl.u32 v12, v2  }
0x7c: {  	v15 =	vperm.xlane v11, v5;
	v13 =	vshrl.u32 v13, v2;
	v12 =	vperm.xlane v10, v12  }
0x7d: {  	v16 =	vperm.xlane v11, v6;
	v14 =	vshrl.u32 v14, v2;
	v13 =	vperm.xlane v10, v13  }
0x7e: {  	v51 =	vperm.xlane v11, v7;
	v50 =	vshrl.u32 v15, v2;
	v49 =	vperm.xlane v10, v14;
	[tilespmem:s25+$0xFFFFFF00] =	vst v12  }
0x7f: {  	v54 =	vperm.xlane v11, v8;
	v53 =	vshrl.u32 v16, v2;
	v52 =	vperm.xlane v10, v50;
	[tilespmem:s25+$0xFFFFFF10] =	vst v13  }
0x80: {  	v11 =	vperm.xlane v11, v9;
	v56 =	vshrl.u32 v51, v2;
	v55 =	vperm.xlane v10, v53;
	[tilespmem:s25+$0xFFFFFF20] =	vst v49  }
0x81: {  	v58 =	vshrl.u32 v54, v2;
	v57 =	vperm.xlane v10, v56;
	[tilespmem:s25+$0xFFFFFF30] =	vst v52  }
0x82: {  	v11 =	vshrl.u32 v11, v2;
	v59 =	vperm.xlane v10, v58;
	[tilespmem:s25+$0xFFFFFF40] =	vst v55  }
0x83: {  	v11 =	vperm.xlane v10, v11;
	[tilespmem:s25+$0xFFFFFF50] =	vst v57  }
0x84: {  	[tilespmem:s25+$0xFFFFFF60] =	vst v59  }
0x85: {  	[tilespmem:s25+$0xFFFFFF70] =	vst v11  }
0x86: {  	v11 =	vld [tilespmem:s24+$0xFFFFFFF0];
	_ =	sdelay $0x4  }
0x87: {  	v60 =	vperm.xlane v11, v0  }
0x88: {  	v61 =	vperm.xlane v11, v3  }
0x89: {  	v62 =	vperm.xlane v11, v4;
	v12 =	vshrl.u32 v60, v2  }
0x8a: {  	v63 =	vperm.xlane v11, v5;
	v13 =	vshrl.u32 v61, v2;
	v12 =	vperm.xlane v10, v12  }
0x8b: {  	v20 =	vperm.xlane v11, v6;
	v14 =	vshrl.u32 v62, v2;
	v13 =	vperm.xlane v10, v13  }
0x8c: {  	v23 =	vperm.xlane v11, v7;
	v22 =	vshrl.u32 v63, v2;
	v21 =	vperm.xlane v10, v14;
	[tilespmem:s25+$0xFFFFFF80] =	vst v12  }
0x8d: {  	v26 =	vperm.xlane v11, v8;
	v25 =	vshrl.u32 v20, v2;
	v24 =	vperm.xlane v10, v22;
	[tilespmem:s25+$0xFFFFFF90] =	vst v13  }
0x8e: {  	v11 =	vperm.xlane v11, v9;
	v28 =	vshrl.u32 v23, v2;
	v27 =	vperm.xlane v10, v25;
	[tilespmem:s25+$0xFFFFFFA0] =	vst v21  }
0x8f: {  	v30 =	vshrl.u32 v26, v2;
	v29 =	vperm.xlane v10, v28;
	[tilespmem:s25+$0xFFFFFFB0] =	vst v24  }
0x90: {  	v11 =	vshrl.u32 v11, v2;
	v31 =	vperm.xlane v10, v30;
	[tilespmem:s25+$0xFFFFFFC0] =	vst v27  }
0x91: {  	v11 =	vperm.xlane v10, v11;
	[tilespmem:s25+$0xFFFFFFD0] =	vst v29  }
0x92: {  	[tilespmem:s25+$0xFFFFFFE0] =	vst v31  }
0x93: {  	[tilespmem:s25+$0xFFFFFFF0] =	vst v11  }
0x94: {  	v11 =	vld [tilespmem:s24+$0x0];
	_ =	sdelay $0x4  }
0x95: {  	v32 =	vperm.xlane v11, v0  }
0x96: {  	v33 =	vperm.xlane v11, v3  }
0x97: {  	v34 =	vperm.xlane v11, v4;
	v12 =	vshrl.u32 v32, v2  }
0x98: {  	v35 =	vperm.xlane v11, v5;
	v13 =	vshrl.u32 v33, v2;
	v12 =	vperm.xlane v10, v12  }
0x99: {  	v36 =	vperm.xlane v11, v6;
	v14 =	vshrl.u32 v34, v2;
	v13 =	vperm.xlane v10, v13  }
0x9a: {  	v39 =	vperm.xlane v11, v7;
	v38 =	vshrl.u32 v35, v2;
	v37 =	vperm.xlane v10, v14;
	[tilespmem:s25+$0x0] =	vst v12  }
0x9b: {  	v42 =	vperm.xlane v11, v8;
	v41 =	vshrl.u32 v36, v2;
	v40 =	vperm.xlane v10, v38;
	[tilespmem:s25+$0x10] =	vst v13  }
0x9c: {  	v11 =	vperm.xlane v11, v9;
	v44 =	vshrl.u32 v39, v2;
	v43 =	vperm.xlane v10, v41;
	[tilespmem:s25+$0x20] =	vst v37  }
0x9d: {  	v46 =	vshrl.u32 v42, v2;
	v45 =	vperm.xlane v10, v44;
	[tilespmem:s25+$0x30] =	vst v40  }
0x9e: {  	v11 =	vshrl.u32 v11, v2;
	v47 =	vperm.xlane v10, v46;
	[tilespmem:s25+$0x40] =	vst v43  }
0x9f: {  	v11 =	vperm.xlane v10, v11;
	[tilespmem:s25+$0x50] =	vst v45  }
0xa0: {  	[tilespmem:s25+$0x60] =	vst v47  }
0xa1: {  	[tilespmem:s25+$0x70] =	vst v11  }
0xa2: {  	v11 =	vld [tilespmem:s24+$0x10];
	_ =	sdelay $0x4  }
0xa3: {  	v48 =	vperm.xlane v11, v0  }
0xa4: {  	v49 =	vperm.xlane v11, v3  }
0xa5: {  	v50 =	vperm.xlane v11, v4;
	v12 =	vshrl.u32 v48, v2  }
0xa6: {  	v51 =	vperm.xlane v11, v5;
	v13 =	vshrl.u32 v49, v2;
	v12 =	vperm.xlane v10, v12  }
0xa7: {  	v52 =	vperm.xlane v11, v6;
	v14 =	vshrl.u32 v50, v2;
	v13 =	vperm.xlane v10, v13  }
0xa8: {  	v55 =	vperm.xlane v11, v7;
	v54 =	vshrl.u32 v51, v2;
	v53 =	vperm.xlane v10, v14;
	[tilespmem:s25+$0x80] =	vst v12  }
0xa9: {  	s23 =	sadd.s32 $0x4, s23;
	v58 =	vperm.xlane v11, v8;
	v57 =	vshrl.u32 v52, v2;
	v56 =	vperm.xlane v10, v54;
	[tilespmem:s25+$0x90] =	vst v13  }
0xaa: {  	p0 =	slt.u32 s23, $0x7C;
	v11 =	vperm.xlane v11, v9;
	v60 =	vshrl.u32 v55, v2;
	v59 =	vperm.xlane v10, v57;
	[tilespmem:s25+$0xA0] =	vst v53  }
.Ltmp4:
0xab: {  	v62 =	vshrl.u32 v58, v2;
	v61 =	vperm.xlane v10, v60;
	[tilespmem:s25+$0xB0] =	vst v56;
	(pc) =	sbr.rel @p0 .LBB2_9-.Ltmp4, $4  }
0xac: {  	v11 =	vshrl.u32 v11, v2;
	v63 =	vperm.xlane v10, v62;
	[tilespmem:s25+$0xC0] =	vst v59  }
0xad: {  	v11 =	vperm.xlane v10, v11;
	[tilespmem:s25+$0xD0] =	vst v61  }
0xae: {  	[tilespmem:s25+$0xE0] =	vst v63  }
0xaf: {  	s24 =	sadd.s32 $0x40, s24;
	[tilespmem:s25+$0xF0] =	vst v11;
	s25 =	sadd.s32 $0x200, s25  }
0xb0: {  	s21 =	sadd.s32 $0x1, s21  }
0xb1: {  	p0 =	sne.s32 s21, $0x34  }
.Ltmp5:
0xb2: {  	s22 =	sshll.u32 s22, $0xE;
	(pc) =	sbr.rel @p0 .LBB2_2-.Ltmp5, $4  }
0xb3: {  	s22 =	sadd.s32 s7, s22  }
0xb4: {  	s22 =	sshrl.u32 s22, $0x3  }
0xb5: {  	s22 =	sadd.s32 s1, s22  }
0xb6: {  	[hbm4b:s22+s3] =	stream.linear.scatter [tilespmem:s18], [sflag:$0x4], $0x4000, $0x38;
	[tilespmem:$0xC410] =	vst v63  }
0xb7: {  	s20 =	sadd.s32 $0x1, s20  }
0xb8: {  	_ =	swait.ge [sflag:s19], $0x4000;
	p0 =	sne.s32 s20, s8  }
.Ltmp6:
0xb9: {  	[sflag:s19] =	ssyncset.done $0x0;
	(pc) =	sbr.rel @p0 .LBB2_1-.Ltmp6, $4  }
0xba: {  	[sflag:s19] =	ssyncadd.s32 $0xFFFFC000  }
0xbb: {  	_ =	swait.ge [sflag:s17], $0x4000  }
0xbc: {  	[sflag:s17] =	ssyncset.done $0x0  }
0xbd: {  	[sflag:s17] =	ssyncadd.s32 $0xFFFFC000  }
0xbe: {  	_ =	sfence.sel $0x180000  }
0xbf: {  	[bflag:$0x0] =	sbarrier.arrive $0xFFFF  }
0xc0: {  	p0 =	sne.s32 s2, $0x0;
	_ =	strace $0x90000047  }
0xc1: {  	s0 =	sadd.s32 @!p0 $0x100000, s0;
	[bflag:$0x2] =	sbarrier.arrive $0xFFFF  }
0xc2: {  	[sflag:s0] =	ssyncadd.tile.s32 @!p0 $0x1;
	_ =	shalt  }
.Lfunc_end2:
_tile_overlayer_lowered:
.L_overlay_start_2:
0xc3: {  	(tag) =	ssettag $0x2  }
0xc4: {  	s0 =	rddreg [dreg:$0x0];
	s2 =	stileid.u32  }
0xc5: {  	s1 =	rddreg [dreg:$0x1];
	p0 =	sne.s32 s2, $0x0  }
0xc6: {  	s3 =	rddreg [dreg:$0x2];
	[bflag:$0x3] =	sbarrier.arrive $0xFFFF;
	s2 =	simm.s32 @!p0 $0x1C05  }
0xc7: {  	[timem:s3], [sflag:s2] =	dma.local @!p0 [hbm:s0], s1  }
0xc8: {  	s0 =	simm.s32 @!p0 $0x5  }
0xc9: {  	_ =	swait.ge @!p0 [sflag:s0], s1  }
0xca: {  	s1 =	ssub.s32 @!p0 $0x0, s1;
	[sflag:s0] =	ssyncset.done @!p0 $0x0  }
0xcb: {  	[sflag:s0] =	ssyncadd.s32 @!p0 s1  }
0xcc: {  	[bflag:$0x3] =	sbarrier.arrive $0xFFFF  }
0xcd: {  	_ =	shalt  }

</sc_bundles>
